<compile_context>
chip_gen: v7x
topology: tpu7x:2x2x1
jax: 0.10.2.dev20260603
libtpu: 0.0.44.dev20260713+nightly
codegen_flags: <defaults>
</compile_context>

<pallas_src>
import functools

import jax
import jax.numpy as jnp
from jax import lax
from jax.experimental import pallas as pl
from jax.experimental.pallas import tpu as pltpu
from jax.experimental.pallas import tpu_sc as plsc


def kernel(playlist_ids, song_ids, playlist_table, song_table):
    (B,) = playlist_ids.shape
    V, D = playlist_table.shape
    info = plsc.get_sparse_core_info()
    NC, NS, L = info.num_cores, info.num_subcores, info.num_lanes
    NW = NC * NS
    assert B % (8 * NW) == 0
    b_per_w = B // NW
    E = 4
    n_sub = b_per_w // E

    mesh = plsc.VectorSubcoreMesh(core_axis_name="c", subcore_axis_name="s")

    @functools.partial(
        pl.kernel,
        mesh=mesh,
        compiler_params=pltpu.CompilerParams(needs_layout_passes=False),
        out_type=jax.ShapeDtypeStruct((B,), jnp.float32),
        scratch_types=[
            pltpu.SMEM((b_per_w,), jnp.int32),
            pltpu.SMEM((b_per_w,), jnp.int32),
            pltpu.VMEM((b_per_w,), jnp.int32),
            pltpu.VMEM((b_per_w,), jnp.int32),
            pltpu.VMEM((E, D, 128), jnp.float32),
            pltpu.VMEM((E, D, 128), jnp.float32),
            pltpu.VMEM((E, D, 128), jnp.float32),
            pltpu.VMEM((E, D, 128), jnp.float32),
            pltpu.VMEM((b_per_w,), jnp.float32),
            pltpu.SemaphoreType.DMA,
            pltpu.SemaphoreType.DMA,
        ],
    )
    def sc_kernel(pid_hbm, sid_hbm, ptab_hbm, stab_hbm, out_hbm,
                  pidx_s, sidx_s, pidx_v, sidx_v,
                  pbufA, sbufA, pbufB, sbufB, outb_v, semA, semB):
        wid = lax.axis_index("s") * NC + lax.axis_index("c")
        base = wid * b_per_w
        pltpu.sync_copy(pid_hbm.at[pl.ds(base, b_per_w)], pidx_v)
        pltpu.sync_copy(sid_hbm.at[pl.ds(base, b_per_w)], sidx_v)

        def stage_body(g, carry):
            pv = pidx_v[pl.ds(g * L, L)]
            sv = sidx_v[pl.ds(g * L, L)]
            for j in range(L):
                pidx_s[g * L + j] = pv[j]
                sidx_s[g * L + j] = sv[j]
            return carry

        lax.fori_loop(0, b_per_w // L, stage_body, 0)

        iota = lax.iota(jnp.int32, L)
        ex16 = iota & (E - 1)
        dimq = (iota >> 2) * (D // 4)
        fold8 = jnp.where(iota < 8, iota + 8, iota)
        fold4 = jnp.where(iota < 4, iota + 4, iota)

        def fire(j, pbuf, sbuf, sem):
            @pl.when(j < n_sub)
            def _():
                for e in range(E):
                    pb = pidx_s[j * E + e] >> 7
                    pltpu.async_copy(
                        ptab_hbm.at[:, pl.ds(pl.multiple_of(pb * 128, 128), 128)],
                        pbuf.at[e], sem,
                    )
                    sb = sidx_s[j * E + e] >> 7
                    pltpu.async_copy(
                        stab_hbm.at[:, pl.ds(pl.multiple_of(sb * 128, 128), 128)],
                        sbuf.at[e], sem,
                    )

        def extract(j, pbuf, sbuf, sem):
            for e in range(E):
                pltpu.make_async_copy(
                    ptab_hbm.at[:, pl.ds(0, 128)], pbuf.at[e], sem
                ).wait()
                pltpu.make_async_copy(
                    stab_hbm.at[:, pl.ds(0, 128)], sbuf.at[e], sem
                ).wait()
            pl16 = pidx_v[pl.ds((j >> 2) * L, L)].at[
                (j & 3) * E + ex16
            ].get(mode="promise_in_bounds") & 127
            sl16 = sidx_v[pl.ds((j >> 2) * L, L)].at[
                (j & 3) * E + ex16
            ].get(mode="promise_in_bounds") & 127
            acc = jnp.zeros((L,), jnp.float32)
            for d in range(D // 4):
                dims = dimq + d
                pv = plsc.load_gather(pbuf, [ex16, dims, pl16])
                sv = plsc.load_gather(sbuf, [ex16, dims, sl16])
                acc = acc + pv * sv
            f1 = acc + acc.at[fold8].get(mode="promise_in_bounds")
            f2 = f1 + f1.at[fold4].get(mode="promise_in_bounds")
            return f2

        fire(0, pbufA, sbufA, semA)

        def pair_body(t, carry):
            j0 = t * 2
            fire(j0 + 1, pbufB, sbufB, semB)
            fa = extract(j0, pbufA, sbufA, semA)
            fire(j0 + 2, pbufA, sbufA, semA)
            fb = extract(j0 + 1, pbufB, sbufB, semB)
            pa = fa.at[iota & 3].get(mode="promise_in_bounds")
            pb = fb.at[iota & 3].get(mode="promise_in_bounds")
            qsel = iota >> 2
            merged = jnp.where(qsel == (j0 & 3), pa, carry)
            merged = jnp.where(qsel == ((j0 + 1) & 3), pb, merged)
            outb_v[pl.ds((t >> 1) * L, L)] = merged
            return merged

        lax.fori_loop(0, n_sub // 2, pair_body, jnp.zeros((L,), jnp.float32))
        pltpu.sync_copy(outb_v, out_hbm.at[pl.ds(base, b_per_w)])

    return sc_kernel(
        playlist_ids, song_ids, playlist_table.T, song_table.T
    )

# --- scband reference (transcript-rebuilt; emitter-appended) ---
"""Pipeline reference for scband-matrix-factorization-41068477284427 (READ-ONLY COPY).

The authoritative reference and input builder live on the scoring server;
editing this copy changes nothing except your own understanding.
"""

import jax, jax.numpy as jnp
import numpy as np

NUM_PLAYLISTS = 1000000
NUM_SONGS = 1000000
EMBED_DIM = 32
BATCH = 16384


def setup_inputs(seed: int = 0) -> dict:
    key = jax.random.key(seed)
    k1, k2, k3, k4 = jax.random.split(key, 4)
    playlist_ids = jax.random.randint(k1, (BATCH,), 0, NUM_PLAYLISTS, dtype=jnp.int64 if jax.config.jax_enable_x64 else jnp.int32)
    song_ids = jax.random.randint(k2, (BATCH,), 0, NUM_SONGS, dtype=jnp.int64 if jax.config.jax_enable_x64 else jnp.int32)
    playlist_table = jax.random.normal(k3, (NUM_PLAYLISTS, EMBED_DIM), dtype=jnp.float32)
    song_table = jax.random.normal(k4, (NUM_SONGS, EMBED_DIM), dtype=jnp.float32)
    return {
        "playlist_ids": playlist_ids,
        "song_ids": song_ids,
        "playlist_table": playlist_table,
        "song_table": song_table,
    }


def reference(playlist_ids, song_ids, playlist_table, song_table):
    # nn.Embedding lookup -> gather rows
    playlist_embeds = jnp.take(playlist_table, playlist_ids, axis=0)  # [B, D]
    song_embeds = jnp.take(song_table, song_ids, axis=0)              # [B, D]
    # elementwise product + sum over embedding dim -> dot product per example
    return (playlist_embeds * song_embeds).sum(axis=1)                # [B]

if __name__ == "__main__":
    import jax
    _d = setup_inputs()
    print(jax.jit(kernel)(*tuple(_d.values())))

</pallas_src>

<mosaic_0001>
#map = affine_map<(d0, d1) -> (0)>
#map1 = affine_map<(d0, d1) -> (0, 0)>
module attributes {stable_mosaic.version = 14 : i64} {
  func.func @sc_kernel(%arg0: i32, %arg1: i32, %arg2: memref<16384xi32, #tpu.memory_space<hbm>>, %arg3: memref<16384xi32, #tpu.memory_space<hbm>>, %arg4: memref<32x1000000xf32, #tpu.memory_space<hbm>>, %arg5: memref<32x1000000xf32, #tpu.memory_space<hbm>>, %arg6: memref<16384xf32, #tpu.memory_space<hbm>>, %arg7: memref<512xi32, #tpu.memory_space<smem>>, %arg8: memref<512xi32, #tpu.memory_space<smem>>, %arg9: memref<512xi32, #tpu.memory_space<vmem>>, %arg10: memref<512xi32, #tpu.memory_space<vmem>>, %arg11: memref<4x32x128xf32, #tpu.memory_space<vmem>>, %arg12: memref<4x32x128xf32, #tpu.memory_space<vmem>>, %arg13: memref<4x32x128xf32, #tpu.memory_space<vmem>>, %arg14: memref<4x32x128xf32, #tpu.memory_space<vmem>>, %arg15: memref<512xf32, #tpu.memory_space<vmem>>, %arg16: memref<!tpu.dma_semaphore, #tpu.memory_space<semaphore_mem>>, %arg17: memref<!tpu.dma_semaphore, #tpu.memory_space<semaphore_mem>>) attributes {dimension_semantics = [#tpu.dimension_semantics<core_parallel>, #tpu.dimension_semantics<subcore_parallel>], iteration_bounds = array<i64: 2, 16>, scalar_prefetch = 0 : i64, scratch_operands = 11 : i64, tpu.core_type = #tpu.core_type<sc_vector_subcore>, window_params = [{transform_indices = #map}, {transform_indices = #map}, {transform_indices = #map1}, {transform_indices = #map1}, {transform_indices = #map}]} {
    %mul3A = arith.constant 2 : i32
    %mul3A_0 = arith.muli %arg1, %mul3A : i32
    %add3A = arith.addi %mul3A_0, %arg0 : i32
    %mul3A_1 = arith.constant 512 : i32
    %mul3A_2 = arith.muli %add3A, %mul3A_1 : i32
    "tpu.region"() ({
      %run_scoped3A = tpu.sem_alloc : memref<!tpu.dma_semaphore, #tpu.memory_space<semaphore_mem>>
      %dma_start3A_199 = tpu.memref_slice %arg2[%mul3A_2] : memref<16384xi32, #tpu.memory_space<hbm>> -> memref<512xi32, #tpu.memory_space<hbm>>
      %dma_start3A_200 = tpu.memref_slice %arg2[%mul3A_2] : memref<16384xi32, #tpu.memory_space<hbm>> -> memref<512xi32, #tpu.memory_space<hbm>>
      tpu.enqueue_dma source(%dma_start3A_200 : memref<512xi32, #tpu.memory_space<hbm>>) target(%arg9 : memref<512xi32, #tpu.memory_space<vmem>>) target_semaphore(%run_scoped3A : memref<!tpu.dma_semaphore, #tpu.memory_space<semaphore_mem>>)
      %dma_wait3A = tpu.memref_slice %arg2[%mul3A_2] : memref<16384xi32, #tpu.memory_space<hbm>> -> memref<512xi32, #tpu.memory_space<hbm>>
      %dma_wait3A_201 = tpu.memref_slice %arg2[%mul3A_2] : memref<16384xi32, #tpu.memory_space<hbm>> -> memref<512xi32, #tpu.memory_space<hbm>>
      tpu.wait_dma2 semaphore(%run_scoped3A : memref<!tpu.dma_semaphore, #tpu.memory_space<semaphore_mem>>) src(%dma_wait3A_201 : memref<512xi32, #tpu.memory_space<hbm>>) dst(%arg9 : memref<512xi32, #tpu.memory_space<vmem>>)
      tpu.yield
    }) : () -> ()
    "tpu.region"() ({
      %run_scoped3A = tpu.sem_alloc : memref<!tpu.dma_semaphore, #tpu.memory_space<semaphore_mem>>
      %dma_start3A_199 = tpu.memref_slice %arg3[%mul3A_2] : memref<16384xi32, #tpu.memory_space<hbm>> -> memref<512xi32, #tpu.memory_space<hbm>>
      %dma_start3A_200 = tpu.memref_slice %arg3[%mul3A_2] : memref<16384xi32, #tpu.memory_space<hbm>> -> memref<512xi32, #tpu.memory_space<hbm>>
      tpu.enqueue_dma source(%dma_start3A_200 : memref<512xi32, #tpu.memory_space<hbm>>) target(%arg10 : memref<512xi32, #tpu.memory_space<vmem>>) target_semaphore(%run_scoped3A : memref<!tpu.dma_semaphore, #tpu.memory_space<semaphore_mem>>)
      %dma_wait3A = tpu.memref_slice %arg3[%mul3A_2] : memref<16384xi32, #tpu.memory_space<hbm>> -> memref<512xi32, #tpu.memory_space<hbm>>
      %dma_wait3A_201 = tpu.memref_slice %arg3[%mul3A_2] : memref<16384xi32, #tpu.memory_space<hbm>> -> memref<512xi32, #tpu.memory_space<hbm>>
      tpu.wait_dma2 semaphore(%run_scoped3A : memref<!tpu.dma_semaphore, #tpu.memory_space<semaphore_mem>>) src(%dma_wait3A_201 : memref<512xi32, #tpu.memory_space<hbm>>) dst(%arg10 : memref<512xi32, #tpu.memory_space<vmem>>)
      tpu.yield
    }) : () -> ()
    %scan3A = arith.constant 0 : i32
    %scan3A_3 = arith.constant 0 : i32
    %scan3A_4 = arith.constant 32 : i32
    %scan3A_5 = arith.addi %scan3A_3, %scan3A_4 : i32
    %scan3A_6 = arith.constant 1 : i32
    scf.for %scan3A_199 = %scan3A_3 to %scan3A_5 step %scan3A_6  : i32 {
      %mul3A_200 = arith.constant 16 : i32
      %mul3A_201 = arith.muli %scan3A_199, %mul3A_200 : i32
      %get3A_202 = arith.index_cast %mul3A_201 : i32 to index
      %get3A_203 = tpu.vector_load %arg9[%get3A_202] {strides = array<i32>} : memref<512xi32, #tpu.memory_space<vmem>>, vector<16xi32>,
      %mul3A_204 = arith.constant 16 : i32
      %mul3A_205 = arith.muli %scan3A_199, %mul3A_204 : i32
      %get3A_206 = arith.index_cast %mul3A_205 : i32 to index
      %get3A_207 = tpu.vector_load %arg10[%get3A_206] {strides = array<i32>} : memref<512xi32, #tpu.memory_space<vmem>>, vector<16xi32>,
      %slice3A = vector.extract_strided_slice %get3A_203 {offsets = [0], sizes = [1], strides = [1]} : vector<16xi32> to vector<1xi32>
      %squeeze3A = vector.extract %slice3A[0] : i32 from vector<1xi32>
      %mul3A_208 = arith.constant 16 : i32
      %mul3A_209 = arith.muli %scan3A_199, %mul3A_208 : i32
      %add3A_210 = arith.constant 0 : i32
      %add3A_211 = arith.addi %mul3A_209, %add3A_210 : i32
      %swap3A = arith.index_cast %add3A_211 : i32 to index
      %swap3A_212 = memref.load %arg7[%swap3A] : memref<512xi32, #tpu.memory_space<smem>>
      memref.store %squeeze3A, %arg7[%swap3A] : memref<512xi32, #tpu.memory_space<smem>>
      %slice3A_213 = vector.extract_strided_slice %get3A_207 {offsets = [0], sizes = [1], strides = [1]} : vector<16xi32> to vector<1xi32>
      %squeeze3A_214 = vector.extract %slice3A_213[0] : i32 from vector<1xi32>
      %mul3A_215 = arith.constant 16 : i32
      %mul3A_216 = arith.muli %scan3A_199, %mul3A_215 : i32
      %add3A_217 = arith.constant 0 : i32
      %add3A_218 = arith.addi %mul3A_216, %add3A_217 : i32
      %swap3A_219 = arith.index_cast %add3A_218 : i32 to index
      %swap3A_220 = memref.load %arg8[%swap3A_219] : memref<512xi32, #tpu.memory_space<smem>>
      memref.store %squeeze3A_214, %arg8[%swap3A_219] : memref<512xi32, #tpu.memory_space<smem>>
      %slice3A_221 = vector.extract_strided_slice %get3A_203 {offsets = [1], sizes = [1], strides = [1]} : vector<16xi32> to vector<1xi32>
      %squeeze3A_222 = vector.extract %slice3A_221[0] : i32 from vector<1xi32>
      %mul3A_223 = arith.constant 16 : i32
      %mul3A_224 = arith.muli %scan3A_199, %mul3A_223 : i32
      %add3A_225 = arith.constant 1 : i32
      %add3A_226 = arith.addi %mul3A_224, %add3A_225 : i32
      %swap3A_227 = arith.index_cast %add3A_226 : i32 to index
      %swap3A_228 = memref.load %arg7[%swap3A_227] : memref<512xi32, #tpu.memory_space<smem>>
      memref.store %squeeze3A_222, %arg7[%swap3A_227] : memref<512xi32, #tpu.memory_space<smem>>
      %slice3A_229 = vector.extract_strided_slice %get3A_207 {offsets = [1], sizes = [1], strides = [1]} : vector<16xi32> to vector<1xi32>
      %squeeze3A_230 = vector.extract %slice3A_229[0] : i32 from vector<1xi32>
      %mul3A_231 = arith.constant 16 : i32
      %mul3A_232 = arith.muli %scan3A_199, %mul3A_231 : i32
      %add3A_233 = arith.constant 1 : i32
      %add3A_234 = arith.addi %mul3A_232, %add3A_233 : i32
      %swap3A_235 = arith.index_cast %add3A_234 : i32 to index
      %swap3A_236 = memref.load %arg8[%swap3A_235] : memref<512xi32, #tpu.memory_space<smem>>
      memref.store %squeeze3A_230, %arg8[%swap3A_235] : memref<512xi32, #tpu.memory_space<smem>>
      %slice3A_237 = vector.extract_strided_slice %get3A_203 {offsets = [2], sizes = [1], strides = [1]} : vector<16xi32> to vector<1xi32>
      %squeeze3A_238 = vector.extract %slice3A_237[0] : i32 from vector<1xi32>
      %mul3A_239 = arith.constant 16 : i32
      %mul3A_240 = arith.muli %scan3A_199, %mul3A_239 : i32
      %add3A_241 = arith.constant 2 : i32
      %add3A_242 = arith.addi %mul3A_240, %add3A_241 : i32
      %swap3A_243 = arith.index_cast %add3A_242 : i32 to index
      %swap3A_244 = memref.load %arg7[%swap3A_243] : memref<512xi32, #tpu.memory_space<smem>>
      memref.store %squeeze3A_238, %arg7[%swap3A_243] : memref<512xi32, #tpu.memory_space<smem>>
      %slice3A_245 = vector.extract_strided_slice %get3A_207 {offsets = [2], sizes = [1], strides = [1]} : vector<16xi32> to vector<1xi32>
      %squeeze3A_246 = vector.extract %slice3A_245[0] : i32 from vector<1xi32>
      %mul3A_247 = arith.constant 16 : i32
      %mul3A_248 = arith.muli %scan3A_199, %mul3A_247 : i32
      %add3A_249 = arith.constant 2 : i32
      %add3A_250 = arith.addi %mul3A_248, %add3A_249 : i32
      %swap3A_251 = arith.index_cast %add3A_250 : i32 to index
      %swap3A_252 = memref.load %arg8[%swap3A_251] : memref<512xi32, #tpu.memory_space<smem>>
      memref.store %squeeze3A_246, %arg8[%swap3A_251] : memref<512xi32, #tpu.memory_space<smem>>
      %slice3A_253 = vector.extract_strided_slice %get3A_203 {offsets = [3], sizes = [1], strides = [1]} : vector<16xi32> to vector<1xi32>
      %squeeze3A_254 = vector.extract %slice3A_253[0] : i32 from vector<1xi32>
      %mul3A_255 = arith.constant 16 : i32
      %mul3A_256 = arith.muli %scan3A_199, %mul3A_255 : i32
      %add3A_257 = arith.constant 3 : i32
      %add3A_258 = arith.addi %mul3A_256, %add3A_257 : i32
      %swap3A_259 = arith.index_cast %add3A_258 : i32 to index
      %swap3A_260 = memref.load %arg7[%swap3A_259] : memref<512xi32, #tpu.memory_space<smem>>
      memref.store %squeeze3A_254, %arg7[%swap3A_259] : memref<512xi32, #tpu.memory_space<smem>>
      %slice3A_261 = vector.extract_strided_slice %get3A_207 {offsets = [3], sizes = [1], strides = [1]} : vector<16xi32> to vector<1xi32>
      %squeeze3A_262 = vector.extract %slice3A_261[0] : i32 from vector<1xi32>
      %mul3A_263 = arith.constant 16 : i32
      %mul3A_264 = arith.muli %scan3A_199, %mul3A_263 : i32
      %add3A_265 = arith.constant 3 : i32
      %add3A_266 = arith.addi %mul3A_264, %add3A_265 : i32
      %swap3A_267 = arith.index_cast %add3A_266 : i32 to index
      %swap3A_268 = memref.load %arg8[%swap3A_267] : memref<512xi32, #tpu.memory_space<smem>>
      memref.store %squeeze3A_262, %arg8[%swap3A_267] : memref<512xi32, #tpu.memory_space<smem>>
      %slice3A_269 = vector.extract_strided_slice %get3A_203 {offsets = [4], sizes = [1], strides = [1]} : vector<16xi32> to vector<1xi32>
      %squeeze3A_270 = vector.extract %slice3A_269[0] : i32 from vector<1xi32>
      %mul3A_271 = arith.constant 16 : i32
      %mul3A_272 = arith.muli %scan3A_199, %mul3A_271 : i32
      %add3A_273 = arith.constant 4 : i32
      %add3A_274 = arith.addi %mul3A_272, %add3A_273 : i32
      %swap3A_275 = arith.index_cast %add3A_274 : i32 to index
      %swap3A_276 = memref.load %arg7[%swap3A_275] : memref<512xi32, #tpu.memory_space<smem>>
      memref.store %squeeze3A_270, %arg7[%swap3A_275] : memref<512xi32, #tpu.memory_space<smem>>
      %slice3A_277 = vector.extract_strided_slice %get3A_207 {offsets = [4], sizes = [1], strides = [1]} : vector<16xi32> to vector<1xi32>
      %squeeze3A_278 = vector.extract %slice3A_277[0] : i32 from vector<1xi32>
      %mul3A_279 = arith.constant 16 : i32
      %mul3A_280 = arith.muli %scan3A_199, %mul3A_279 : i32
      %add3A_281 = arith.constant 4 : i32
      %add3A_282 = arith.addi %mul3A_280, %add3A_281 : i32
      %swap3A_283 = arith.index_cast %add3A_282 : i32 to index
      %swap3A_284 = memref.load %arg8[%swap3A_283] : memref<512xi32, #tpu.memory_space<smem>>
      memref.store %squeeze3A_278, %arg8[%swap3A_283] : memref<512xi32, #tpu.memory_space<smem>>
      %slice3A_285 = vector.extract_strided_slice %get3A_203 {offsets = [5], sizes = [1], strides = [1]} : vector<16xi32> to vector<1xi32>
      %squeeze3A_286 = vector.extract %slice3A_285[0] : i32 from vector<1xi32>
      %mul3A_287 = arith.constant 16 : i32
      %mul3A_288 = arith.muli %scan3A_199, %mul3A_287 : i32
      %add3A_289 = arith.constant 5 : i32
      %add3A_290 = arith.addi %mul3A_288, %add3A_289 : i32
      %swap3A_291 = arith.index_cast %add3A_290 : i32 to index
      %swap3A_292 = memref.load %arg7[%swap3A_291] : memref<512xi32, #tpu.memory_space<smem>>
      memref.store %squeeze3A_286, %arg7[%swap3A_291] : memref<512xi32, #tpu.memory_space<smem>>
      %slice3A_293 = vector.extract_strided_slice %get3A_207 {offsets = [5], sizes = [1], strides = [1]} : vector<16xi32> to vector<1xi32>
      %squeeze3A_294 = vector.extract %slice3A_293[0] : i32 from vector<1xi32>
      %mul3A_295 = arith.constant 16 : i32
      %mul3A_296 = arith.muli %scan3A_199, %mul3A_295 : i32
      %add3A_297 = arith.constant 5 : i32
      %add3A_298 = arith.addi %mul3A_296, %add3A_297 : i32
      %swap3A_299 = arith.index_cast %add3A_298 : i32 to index
      %swap3A_300 = memref.load %arg8[%swap3A_299] : memref<512xi32, #tpu.memory_space<smem>>
      memref.store %squeeze3A_294, %arg8[%swap3A_299] : memref<512xi32, #tpu.memory_space<smem>>
      %slice3A_301 = vector.extract_strided_slice %get3A_203 {offsets = [6], sizes = [1], strides = [1]} : vector<16xi32> to vector<1xi32>
      %squeeze3A_302 = vector.extract %slice3A_301[0] : i32 from vector<1xi32>
      %mul3A_303 = arith.constant 16 : i32
      %mul3A_304 = arith.muli %scan3A_199, %mul3A_303 : i32
      %add3A_305 = arith.constant 6 : i32
      %add3A_306 = arith.addi %mul3A_304, %add3A_305 : i32
      %swap3A_307 = arith.index_cast %add3A_306 : i32 to index
      %swap3A_308 = memref.load %arg7[%swap3A_307] : memref<512xi32, #tpu.memory_space<smem>>
      memref.store %squeeze3A_302, %arg7[%swap3A_307] : memref<512xi32, #tpu.memory_space<smem>>
      %slice3A_309 = vector.extract_strided_slice %get3A_207 {offsets = [6], sizes = [1], strides = [1]} : vector<16xi32> to vector<1xi32>
      %squeeze3A_310 = vector.extract %slice3A_309[0] : i32 from vector<1xi32>
      %mul3A_311 = arith.constant 16 : i32
      %mul3A_312 = arith.muli %scan3A_199, %mul3A_311 : i32
      %add3A_313 = arith.constant 6 : i32
      %add3A_314 = arith.addi %mul3A_312, %add3A_313 : i32
      %swap3A_315 = arith.index_cast %add3A_314 : i32 to index
      %swap3A_316 = memref.load %arg8[%swap3A_315] : memref<512xi32, #tpu.memory_space<smem>>
      memref.store %squeeze3A_310, %arg8[%swap3A_315] : memref<512xi32, #tpu.memory_space<smem>>
      %slice3A_317 = vector.extract_strided_slice %get3A_203 {offsets = [7], sizes = [1], strides = [1]} : vector<16xi32> to vector<1xi32>
      %squeeze3A_318 = vector.extract %slice3A_317[0] : i32 from vector<1xi32>
      %mul3A_319 = arith.constant 16 : i32
      %mul3A_320 = arith.muli %scan3A_199, %mul3A_319 : i32
      %add3A_321 = arith.constant 7 : i32
      %add3A_322 = arith.addi %mul3A_320, %add3A_321 : i32
      %swap3A_323 = arith.index_cast %add3A_322 : i32 to index
      %swap3A_324 = memref.load %arg7[%swap3A_323] : memref<512xi32, #tpu.memory_space<smem>>
      memref.store %squeeze3A_318, %arg7[%swap3A_323] : memref<512xi32, #tpu.memory_space<smem>>
      %slice3A_325 = vector.extract_strided_slice %get3A_207 {offsets = [7], sizes = [1], strides = [1]} : vector<16xi32> to vector<1xi32>
      %squeeze3A_326 = vector.extract %slice3A_325[0] : i32 from vector<1xi32>
      %mul3A_327 = arith.constant 16 : i32
      %mul3A_328 = arith.muli %scan3A_199, %mul3A_327 : i32
      %add3A_329 = arith.constant 7 : i32
      %add3A_330 = arith.addi %mul3A_328, %add3A_329 : i32
      %swap3A_331 = arith.index_cast %add3A_330 : i32 to index
      %swap3A_332 = memref.load %arg8[%swap3A_331] : memref<512xi32, #tpu.memory_space<smem>>
      memref.store %squeeze3A_326, %arg8[%swap3A_331] : memref<512xi32, #tpu.memory_space<smem>>
      %slice3A_333 = vector.extract_strided_slice %get3A_203 {offsets = [8], sizes = [1], strides = [1]} : vector<16xi32> to vector<1xi32>
      %squeeze3A_334 = vector.extract %slice3A_333[0] : i32 from vector<1xi32>
      %mul3A_335 = arith.constant 16 : i32
      %mul3A_336 = arith.muli %scan3A_199, %mul3A_335 : i32
      %add3A_337 = arith.constant 8 : i32
      %add3A_338 = arith.addi %mul3A_336, %add3A_337 : i32
      %swap3A_339 = arith.index_cast %add3A_338 : i32 to index
      %swap3A_340 = memref.load %arg7[%swap3A_339] : memref<512xi32, #tpu.memory_space<smem>>
      memref.store %squeeze3A_334, %arg7[%swap3A_339] : memref<512xi32, #tpu.memory_space<smem>>
      %slice3A_341 = vector.extract_strided_slice %get3A_207 {offsets = [8], sizes = [1], strides = [1]} : vector<16xi32> to vector<1xi32>
      %squeeze3A_342 = vector.extract %slice3A_341[0] : i32 from vector<1xi32>
      %mul3A_343 = arith.constant 16 : i32
      %mul3A_344 = arith.muli %scan3A_199, %mul3A_343 : i32
      %add3A_345 = arith.constant 8 : i32
      %add3A_346 = arith.addi %mul3A_344, %add3A_345 : i32
      %swap3A_347 = arith.index_cast %add3A_346 : i32 to index
      %swap3A_348 = memref.load %arg8[%swap3A_347] : memref<512xi32, #tpu.memory_space<smem>>
      memref.store %squeeze3A_342, %arg8[%swap3A_347] : memref<512xi32, #tpu.memory_space<smem>>
      %slice3A_349 = vector.extract_strided_slice %get3A_203 {offsets = [9], sizes = [1], strides = [1]} : vector<16xi32> to vector<1xi32>
      %squeeze3A_350 = vector.extract %slice3A_349[0] : i32 from vector<1xi32>
      %mul3A_351 = arith.constant 16 : i32
      %mul3A_352 = arith.muli %scan3A_199, %mul3A_351 : i32
      %add3A_353 = arith.constant 9 : i32
      %add3A_354 = arith.addi %mul3A_352, %add3A_353 : i32
      %swap3A_355 = arith.index_cast %add3A_354 : i32 to index
      %swap3A_356 = memref.load %arg7[%swap3A_355] : memref<512xi32, #tpu.memory_space<smem>>
      memref.store %squeeze3A_350, %arg7[%swap3A_355] : memref<512xi32, #tpu.memory_space<smem>>
      %slice3A_357 = vector.extract_strided_slice %get3A_207 {offsets = [9], sizes = [1], strides = [1]} : vector<16xi32> to vector<1xi32>
      %squeeze3A_358 = vector.extract %slice3A_357[0] : i32 from vector<1xi32>
      %mul3A_359 = arith.constant 16 : i32
      %mul3A_360 = arith.muli %scan3A_199, %mul3A_359 : i32
      %add3A_361 = arith.constant 9 : i32
      %add3A_362 = arith.addi %mul3A_360, %add3A_361 : i32
      %swap3A_363 = arith.index_cast %add3A_362 : i32 to index
      %swap3A_364 = memref.load %arg8[%swap3A_363] : memref<512xi32, #tpu.memory_space<smem>>
      memref.store %squeeze3A_358, %arg8[%swap3A_363] : memref<512xi32, #tpu.memory_space<smem>>
      %slice3A_365 = vector.extract_strided_slice %get3A_203 {offsets = [10], sizes = [1], strides = [1]} : vector<16xi32> to vector<1xi32>
      %squeeze3A_366 = vector.extract %slice3A_365[0] : i32 from vector<1xi32>
      %mul3A_367 = arith.constant 16 : i32
      %mul3A_368 = arith.muli %scan3A_199, %mul3A_367 : i32
      %add3A_369 = arith.constant 10 : i32
      %add3A_370 = arith.addi %mul3A_368, %add3A_369 : i32
      %swap3A_371 = arith.index_cast %add3A_370 : i32 to index
      %swap3A_372 = memref.load %arg7[%swap3A_371] : memref<512xi32, #tpu.memory_space<smem>>
      memref.store %squeeze3A_366, %arg7[%swap3A_371] : memref<512xi32, #tpu.memory_space<smem>>
      %slice3A_373 = vector.extract_strided_slice %get3A_207 {offsets = [10], sizes = [1], strides = [1]} : vector<16xi32> to vector<1xi32>
      %squeeze3A_374 = vector.extract %slice3A_373[0] : i32 from vector<1xi32>
      %mul3A_375 = arith.constant 16 : i32
      %mul3A_376 = arith.muli %scan3A_199, %mul3A_375 : i32
      %add3A_377 = arith.constant 10 : i32
      %add3A_378 = arith.addi %mul3A_376, %add3A_377 : i32
      %swap3A_379 = arith.index_cast %add3A_378 : i32 to index
      %swap3A_380 = memref.load %arg8[%swap3A_379] : memref<512xi32, #tpu.memory_space<smem>>
      memref.store %squeeze3A_374, %arg8[%swap3A_379] : memref<512xi32, #tpu.memory_space<smem>>
      %slice3A_381 = vector.extract_strided_slice %get3A_203 {offsets = [11], sizes = [1], strides = [1]} : vector<16xi32> to vector<1xi32>
      %squeeze3A_382 = vector.extract %slice3A_381[0] : i32 from vector<1xi32>
      %mul3A_383 = arith.constant 16 : i32
      %mul3A_384 = arith.muli %scan3A_199, %mul3A_383 : i32
      %add3A_385 = arith.constant 11 : i32
      %add3A_386 = arith.addi %mul3A_384, %add3A_385 : i32
      %swap3A_387 = arith.index_cast %add3A_386 : i32 to index
      %swap3A_388 = memref.load %arg7[%swap3A_387] : memref<512xi32, #tpu.memory_space<smem>>
      memref.store %squeeze3A_382, %arg7[%swap3A_387] : memref<512xi32, #tpu.memory_space<smem>>
      %slice3A_389 = vector.extract_strided_slice %get3A_207 {offsets = [11], sizes = [1], strides = [1]} : vector<16xi32> to vector<1xi32>
      %squeeze3A_390 = vector.extract %slice3A_389[0] : i32 from vector<1xi32>
      %mul3A_391 = arith.constant 16 : i32
      %mul3A_392 = arith.muli %scan3A_199, %mul3A_391 : i32
      %add3A_393 = arith.constant 11 : i32
      %add3A_394 = arith.addi %mul3A_392, %add3A_393 : i32
      %swap3A_395 = arith.index_cast %add3A_394 : i32 to index
      %swap3A_396 = memref.load %arg8[%swap3A_395] : memref<512xi32, #tpu.memory_space<smem>>
      memref.store %squeeze3A_390, %arg8[%swap3A_395] : memref<512xi32, #tpu.memory_space<smem>>
      %slice3A_397 = vector.extract_strided_slice %get3A_203 {offsets = [12], sizes = [1], strides = [1]} : vector<16xi32> to vector<1xi32>
      %squeeze3A_398 = vector.extract %slice3A_397[0] : i32 from vector<1xi32>
      %mul3A_399 = arith.constant 16 : i32
      %mul3A_400 = arith.muli %scan3A_199, %mul3A_399 : i32
      %add3A_401 = arith.constant 12 : i32
      %add3A_402 = arith.addi %mul3A_400, %add3A_401 : i32
      %swap3A_403 = arith.index_cast %add3A_402 : i32 to index
      %swap3A_404 = memref.load %arg7[%swap3A_403] : memref<512xi32, #tpu.memory_space<smem>>
      memref.store %squeeze3A_398, %arg7[%swap3A_403] : memref<512xi32, #tpu.memory_space<smem>>
      %slice3A_405 = vector.extract_strided_slice %get3A_207 {offsets = [12], sizes = [1], strides = [1]} : vector<16xi32> to vector<1xi32>
      %squeeze3A_406 = vector.extract %slice3A_405[0] : i32 from vector<1xi32>
      %mul3A_407 = arith.constant 16 : i32
      %mul3A_408 = arith.muli %scan3A_199, %mul3A_407 : i32
      %add3A_409 = arith.constant 12 : i32
      %add3A_410 = arith.addi %mul3A_408, %add3A_409 : i32
      %swap3A_411 = arith.index_cast %add3A_410 : i32 to index
      %swap3A_412 = memref.load %arg8[%swap3A_411] : memref<512xi32, #tpu.memory_space<smem>>
      memref.store %squeeze3A_406, %arg8[%swap3A_411] : memref<512xi32, #tpu.memory_space<smem>>
      %slice3A_413 = vector.extract_strided_slice %get3A_203 {offsets = [13], sizes = [1], strides = [1]} : vector<16xi32> to vector<1xi32>
      %squeeze3A_414 = vector.extract %slice3A_413[0] : i32 from vector<1xi32>
      %mul3A_415 = arith.constant 16 : i32
      %mul3A_416 = arith.muli %scan3A_199, %mul3A_415 : i32
      %add3A_417 = arith.constant 13 : i32
      %add3A_418 = arith.addi %mul3A_416, %add3A_417 : i32
      %swap3A_419 = arith.index_cast %add3A_418 : i32 to index
      %swap3A_420 = memref.load %arg7[%swap3A_419] : memref<512xi32, #tpu.memory_space<smem>>
      memref.store %squeeze3A_414, %arg7[%swap3A_419] : memref<512xi32, #tpu.memory_space<smem>>
      %slice3A_421 = vector.extract_strided_slice %get3A_207 {offsets = [13], sizes = [1], strides = [1]} : vector<16xi32> to vector<1xi32>
      %squeeze3A_422 = vector.extract %slice3A_421[0] : i32 from vector<1xi32>
      %mul3A_423 = arith.constant 16 : i32
      %mul3A_424 = arith.muli %scan3A_199, %mul3A_423 : i32
      %add3A_425 = arith.constant 13 : i32
      %add3A_426 = arith.addi %mul3A_424, %add3A_425 : i32
      %swap3A_427 = arith.index_cast %add3A_426 : i32 to index
      %swap3A_428 = memref.load %arg8[%swap3A_427] : memref<512xi32, #tpu.memory_space<smem>>
      memref.store %squeeze3A_422, %arg8[%swap3A_427] : memref<512xi32, #tpu.memory_space<smem>>
      %slice3A_429 = vector.extract_strided_slice %get3A_203 {offsets = [14], sizes = [1], strides = [1]} : vector<16xi32> to vector<1xi32>
      %squeeze3A_430 = vector.extract %slice3A_429[0] : i32 from vector<1xi32>
      %mul3A_431 = arith.constant 16 : i32
      %mul3A_432 = arith.muli %scan3A_199, %mul3A_431 : i32
      %add3A_433 = arith.constant 14 : i32
      %add3A_434 = arith.addi %mul3A_432, %add3A_433 : i32
      %swap3A_435 = arith.index_cast %add3A_434 : i32 to index
      %swap3A_436 = memref.load %arg7[%swap3A_435] : memref<512xi32, #tpu.memory_space<smem>>
      memref.store %squeeze3A_430, %arg7[%swap3A_435] : memref<512xi32, #tpu.memory_space<smem>>
      %slice3A_437 = vector.extract_strided_slice %get3A_207 {offsets = [14], sizes = [1], strides = [1]} : vector<16xi32> to vector<1xi32>
      %squeeze3A_438 = vector.extract %slice3A_437[0] : i32 from vector<1xi32>
      %mul3A_439 = arith.constant 16 : i32
      %mul3A_440 = arith.muli %scan3A_199, %mul3A_439 : i32
      %add3A_441 = arith.constant 14 : i32
      %add3A_442 = arith.addi %mul3A_440, %add3A_441 : i32
      %swap3A_443 = arith.index_cast %add3A_442 : i32 to index
      %swap3A_444 = memref.load %arg8[%swap3A_443] : memref<512xi32, #tpu.memory_space<smem>>
      memref.store %squeeze3A_438, %arg8[%swap3A_443] : memref<512xi32, #tpu.memory_space<smem>>
      %slice3A_445 = vector.extract_strided_slice %get3A_203 {offsets = [15], sizes = [1], strides = [1]} : vector<16xi32> to vector<1xi32>
      %squeeze3A_446 = vector.extract %slice3A_445[0] : i32 from vector<1xi32>
      %mul3A_447 = arith.constant 16 : i32
      %mul3A_448 = arith.muli %scan3A_199, %mul3A_447 : i32
      %add3A_449 = arith.constant 15 : i32
      %add3A_450 = arith.addi %mul3A_448, %add3A_449 : i32
      %swap3A_451 = arith.index_cast %add3A_450 : i32 to index
      %swap3A_452 = memref.load %arg7[%swap3A_451] : memref<512xi32, #tpu.memory_space<smem>>
      memref.store %squeeze3A_446, %arg7[%swap3A_451] : memref<512xi32, #tpu.memory_space<smem>>
      %slice3A_453 = vector.extract_strided_slice %get3A_207 {offsets = [15], sizes = [1], strides = [1]} : vector<16xi32> to vector<1xi32>
      %squeeze3A_454 = vector.extract %slice3A_453[0] : i32 from vector<1xi32>
      %mul3A_455 = arith.constant 16 : i32
      %mul3A_456 = arith.muli %scan3A_199, %mul3A_455 : i32
      %add3A_457 = arith.constant 15 : i32
      %add3A_458 = arith.addi %mul3A_456, %add3A_457 : i32
      %swap3A_459 = arith.index_cast %add3A_458 : i32 to index
      %swap3A_460 = memref.load %arg8[%swap3A_459] : memref<512xi32, #tpu.memory_space<smem>>
      memref.store %squeeze3A_454, %arg8[%swap3A_459] : memref<512xi32, #tpu.memory_space<smem>>
    }
    %scan3A_7 = arith.constant 32 : i32
    %iota3A = tpu.iota {dimensions = array<i32: 0>} : vector<16xi32>
    %and3A = arith.constant 3 : i32
    %and3A_8 = vector.broadcast %and3A : i32 to vector<16xi32>
    %and3A_9 = arith.andi %iota3A, %and3A_8 : vector<16xi32>
    %shift_right_arithmetic3A = arith.constant 2 : i32
    %shift_right_arithmetic3A_10 = vector.broadcast %shift_right_arithmetic3A : i32 to vector<16xi32>
    %shift_right_arithmetic3A_11 = arith.shrsi %iota3A, %shift_right_arithmetic3A_10 : vector<16xi32>
    %mul3A_12 = arith.constant 8 : i32
    %mul3A_13 = vector.broadcast %mul3A_12 : i32 to vector<16xi32>
    %mul3A_14 = arith.muli %shift_right_arithmetic3A_11, %mul3A_13 : vector<16xi32>
    %lt3A = arith.constant 8 : i32
    %lt3A_15 = vector.broadcast %lt3A : i32 to vector<16xi32>
    %lt3A_16 = arith.cmpi slt, %iota3A, %lt3A_15 : vector<16xi32>
    %add3A_17 = arith.constant 8 : i32
    %add3A_18 = vector.broadcast %add3A_17 : i32 to vector<16xi32>
    %add3A_19 = arith.addi %iota3A, %add3A_18 : vector<16xi32>
    %select_n3A = arith.select %lt3A_16, %add3A_19, %iota3A : vector<16xi1>, vector<16xi32>
    %lt3A_20 = arith.constant 4 : i32
    %lt3A_21 = vector.broadcast %lt3A_20 : i32 to vector<16xi32>
    %lt3A_22 = arith.cmpi slt, %iota3A, %lt3A_21 : vector<16xi32>
    %add3A_23 = arith.constant 4 : i32
    %add3A_24 = vector.broadcast %add3A_23 : i32 to vector<16xi32>
    %add3A_25 = arith.addi %iota3A, %add3A_24 : vector<16xi32>
    %select_n3A_26 = arith.select %lt3A_22, %add3A_25, %iota3A : vector<16xi1>, vector<16xi32>
    %get3A = arith.constant 0 : i32
    %get3A_27 = arith.index_cast %get3A : i32 to index
    %get3A_28 = memref.load %arg7[%get3A_27] : memref<512xi32, #tpu.memory_space<smem>>
    %shift_right_arithmetic3A_29 = arith.constant 7 : i32
    %shift_right_arithmetic3A_30 = arith.shrsi %get3A_28, %shift_right_arithmetic3A_29 : i32
    %mul3A_31 = arith.constant 128 : i32
    %mul3A_32 = arith.muli %shift_right_arithmetic3A_30, %mul3A_31 : i32
    %multiple_of3A = tpu.assume_multiple %mul3A_32, 128 : i32
    %dma_start3A = arith.constant 0 : i32
    %dma_start3A_33 = arith.constant 0 : i32
    %dma_start3A_34 = arith.constant 0 : i32
    %dma_start3A_35 = tpu.memref_slice %arg11[%dma_start3A, %dma_start3A_33, %dma_start3A_34] : memref<4x32x128xf32, #tpu.memory_space<vmem>> -> memref<1x32x128xf32, #tpu.memory_space<vmem>>
    %dma_start3A_36 = tpu.memref_squeeze %dma_start3A_35 : memref<1x32x128xf32, #tpu.memory_space<vmem>> -> memref<32x128xf32, #tpu.memory_space<vmem>>
    %dma_start3A_37 = arith.constant 0 : i32
    %dma_start3A_38 = tpu.memref_slice %arg4[%dma_start3A_37, %multiple_of3A] : memref<32x1000000xf32, #tpu.memory_space<hbm>> -> memref<32x128xf32, #tpu.memory_space<hbm>>
    %dma_start3A_39 = arith.constant 0 : i32
    %dma_start3A_40 = arith.constant 0 : i32
    %dma_start3A_41 = tpu.memref_slice %arg11[%dma_start3A, %dma_start3A_39, %dma_start3A_40] : memref<4x32x128xf32, #tpu.memory_space<vmem>> -> memref<1x32x128xf32, #tpu.memory_space<vmem>>
    %dma_start3A_42 = tpu.memref_squeeze %dma_start3A_41 : memref<1x32x128xf32, #tpu.memory_space<vmem>> -> memref<32x128xf32, #tpu.memory_space<vmem>>
    %dma_start3A_43 = arith.constant 0 : i32
    %dma_start3A_44 = tpu.memref_slice %arg4[%dma_start3A_43, %multiple_of3A] : memref<32x1000000xf32, #tpu.memory_space<hbm>> -> memref<32x128xf32, #tpu.memory_space<hbm>>
    tpu.enqueue_dma source(%dma_start3A_44 : memref<32x128xf32, #tpu.memory_space<hbm>>) target(%dma_start3A_42 : memref<32x128xf32, #tpu.memory_space<vmem>>) target_semaphore(%arg16 : memref<!tpu.dma_semaphore, #tpu.memory_space<semaphore_mem>>)
    %get3A_45 = arith.constant 0 : i32
    %get3A_46 = arith.index_cast %get3A_45 : i32 to index
    %get3A_47 = memref.load %arg8[%get3A_46] : memref<512xi32, #tpu.memory_space<smem>>
    %shift_right_arithmetic3A_48 = arith.constant 7 : i32
    %shift_right_arithmetic3A_49 = arith.shrsi %get3A_47, %shift_right_arithmetic3A_48 : i32
    %mul3A_50 = arith.constant 128 : i32
    %mul3A_51 = arith.muli %shift_right_arithmetic3A_49, %mul3A_50 : i32
    %multiple_of3A_52 = tpu.assume_multiple %mul3A_51, 128 : i32
    %dma_start3A_53 = arith.constant 0 : i32
    %dma_start3A_54 = arith.constant 0 : i32
    %dma_start3A_55 = arith.constant 0 : i32
    %dma_start3A_56 = tpu.memref_slice %arg12[%dma_start3A_53, %dma_start3A_54, %dma_start3A_55] : memref<4x32x128xf32, #tpu.memory_space<vmem>> -> memref<1x32x128xf32, #tpu.memory_space<vmem>>
    %dma_start3A_57 = tpu.memref_squeeze %dma_start3A_56 : memref<1x32x128xf32, #tpu.memory_space<vmem>> -> memref<32x128xf32, #tpu.memory_space<vmem>>
    %dma_start3A_58 = arith.constant 0 : i32
    %dma_start3A_59 = tpu.memref_slice %arg5[%dma_start3A_58, %multiple_of3A_52] : memref<32x1000000xf32, #tpu.memory_space<hbm>> -> memref<32x128xf32, #tpu.memory_space<hbm>>
    %dma_start3A_60 = arith.constant 0 : i32
    %dma_start3A_61 = arith.constant 0 : i32
    %dma_start3A_62 = tpu.memref_slice %arg12[%dma_start3A_53, %dma_start3A_60, %dma_start3A_61] : memref<4x32x128xf32, #tpu.memory_space<vmem>> -> memref<1x32x128xf32, #tpu.memory_space<vmem>>
    %dma_start3A_63 = tpu.memref_squeeze %dma_start3A_62 : memref<1x32x128xf32, #tpu.memory_space<vmem>> -> memref<32x128xf32, #tpu.memory_space<vmem>>
    %dma_start3A_64 = arith.constant 0 : i32
    %dma_start3A_65 = tpu.memref_slice %arg5[%dma_start3A_64, %multiple_of3A_52] : memref<32x1000000xf32, #tpu.memory_space<hbm>> -> memref<32x128xf32, #tpu.memory_space<hbm>>
    tpu.enqueue_dma source(%dma_start3A_65 : memref<32x128xf32, #tpu.memory_space<hbm>>) target(%dma_start3A_63 : memref<32x128xf32, #tpu.memory_space<vmem>>) target_semaphore(%arg16 : memref<!tpu.dma_semaphore, #tpu.memory_space<semaphore_mem>>)
    %get3A_66 = arith.constant 1 : i32
    %get3A_67 = arith.index_cast %get3A_66 : i32 to index
    %get3A_68 = memref.load %arg7[%get3A_67] : memref<512xi32, #tpu.memory_space<smem>>
    %shift_right_arithmetic3A_69 = arith.constant 7 : i32
    %shift_right_arithmetic3A_70 = arith.shrsi %get3A_68, %shift_right_arithmetic3A_69 : i32
    %mul3A_71 = arith.constant 128 : i32
    %mul3A_72 = arith.muli %shift_right_arithmetic3A_70, %mul3A_71 : i32
    %multiple_of3A_73 = tpu.assume_multiple %mul3A_72, 128 : i32
    %dma_start3A_74 = arith.constant 1 : i32
    %dma_start3A_75 = arith.constant 0 : i32
    %dma_start3A_76 = arith.constant 0 : i32
    %dma_start3A_77 = tpu.memref_slice %arg11[%dma_start3A_74, %dma_start3A_75, %dma_start3A_76] : memref<4x32x128xf32, #tpu.memory_space<vmem>> -> memref<1x32x128xf32, #tpu.memory_space<vmem>>
    %dma_start3A_78 = tpu.memref_squeeze %dma_start3A_77 : memref<1x32x128xf32, #tpu.memory_space<vmem>> -> memref<32x128xf32, #tpu.memory_space<vmem>>
    %dma_start3A_79 = arith.constant 0 : i32
    %dma_start3A_80 = tpu.memref_slice %arg4[%dma_start3A_79, %multiple_of3A_73] : memref<32x1000000xf32, #tpu.memory_space<hbm>> -> memref<32x128xf32, #tpu.memory_space<hbm>>
    %dma_start3A_81 = arith.constant 0 : i32
    %dma_start3A_82 = arith.constant 0 : i32
    %dma_start3A_83 = tpu.memref_slice %arg11[%dma_start3A_74, %dma_start3A_81, %dma_start3A_82] : memref<4x32x128xf32, #tpu.memory_space<vmem>> -> memref<1x32x128xf32, #tpu.memory_space<vmem>>
    %dma_start3A_84 = tpu.memref_squeeze %dma_start3A_83 : memref<1x32x128xf32, #tpu.memory_space<vmem>> -> memref<32x128xf32, #tpu.memory_space<vmem>>
    %dma_start3A_85 = arith.constant 0 : i32
    %dma_start3A_86 = tpu.memref_slice %arg4[%dma_start3A_85, %multiple_of3A_73] : memref<32x1000000xf32, #tpu.memory_space<hbm>> -> memref<32x128xf32, #tpu.memory_space<hbm>>
    tpu.enqueue_dma source(%dma_start3A_86 : memref<32x128xf32, #tpu.memory_space<hbm>>) target(%dma_start3A_84 : memref<32x128xf32, #tpu.memory_space<vmem>>) target_semaphore(%arg16 : memref<!tpu.dma_semaphore, #tpu.memory_space<semaphore_mem>>)
    %get3A_87 = arith.constant 1 : i32
    %get3A_88 = arith.index_cast %get3A_87 : i32 to index
    %get3A_89 = memref.load %arg8[%get3A_88] : memref<512xi32, #tpu.memory_space<smem>>
    %shift_right_arithmetic3A_90 = arith.constant 7 : i32
    %shift_right_arithmetic3A_91 = arith.shrsi %get3A_89, %shift_right_arithmetic3A_90 : i32
    %mul3A_92 = arith.constant 128 : i32
    %mul3A_93 = arith.muli %shift_right_arithmetic3A_91, %mul3A_92 : i32
    %multiple_of3A_94 = tpu.assume_multiple %mul3A_93, 128 : i32
    %dma_start3A_95 = arith.constant 1 : i32
    %dma_start3A_96 = arith.constant 0 : i32
    %dma_start3A_97 = arith.constant 0 : i32
    %dma_start3A_98 = tpu.memref_slice %arg12[%dma_start3A_95, %dma_start3A_96, %dma_start3A_97] : memref<4x32x128xf32, #tpu.memory_space<vmem>> -> memref<1x32x128xf32, #tpu.memory_space<vmem>>
    %dma_start3A_99 = tpu.memref_squeeze %dma_start3A_98 : memref<1x32x128xf32, #tpu.memory_space<vmem>> -> memref<32x128xf32, #tpu.memory_space<vmem>>
    %dma_start3A_100 = arith.constant 0 : i32
    %dma_start3A_101 = tpu.memref_slice %arg5[%dma_start3A_100, %multiple_of3A_94] : memref<32x1000000xf32, #tpu.memory_space<hbm>> -> memref<32x128xf32, #tpu.memory_space<hbm>>
    %dma_start3A_102 = arith.constant 0 : i32
    %dma_start3A_103 = arith.constant 0 : i32
    %dma_start3A_104 = tpu.memref_slice %arg12[%dma_start3A_95, %dma_start3A_102, %dma_start3A_103] : memref<4x32x128xf32, #tpu.memory_space<vmem>> -> memref<1x32x128xf32, #tpu.memory_space<vmem>>
    %dma_start3A_105 = tpu.memref_squeeze %dma_start3A_104 : memref<1x32x128xf32, #tpu.memory_space<vmem>> -> memref<32x128xf32, #tpu.memory_space<vmem>>
    %dma_start3A_106 = arith.constant 0 : i32
    %dma_start3A_107 = tpu.memref_slice %arg5[%dma_start3A_106, %multiple_of3A_94] : memref<32x1000000xf32, #tpu.memory_space<hbm>> -> memref<32x128xf32, #tpu.memory_space<hbm>>
    tpu.enqueue_dma source(%dma_start3A_107 : memref<32x128xf32, #tpu.memory_space<hbm>>) target(%dma_start3A_105 : memref<32x128xf32, #tpu.memory_space<vmem>>) target_semaphore(%arg16 : memref<!tpu.dma_semaphore, #tpu.memory_space<semaphore_mem>>)
    %get3A_108 = arith.constant 2 : i32
    %get3A_109 = arith.index_cast %get3A_108 : i32 to index
    %get3A_110 = memref.load %arg7[%get3A_109] : memref<512xi32, #tpu.memory_space<smem>>
    %shift_right_arithmetic3A_111 = arith.constant 7 : i32
    %shift_right_arithmetic3A_112 = arith.shrsi %get3A_110, %shift_right_arithmetic3A_111 : i32
    %mul3A_113 = arith.constant 128 : i32
    %mul3A_114 = arith.muli %shift_right_arithmetic3A_112, %mul3A_113 : i32
    %multiple_of3A_115 = tpu.assume_multiple %mul3A_114, 128 : i32
    %dma_start3A_116 = arith.constant 2 : i32
    %dma_start3A_117 = arith.constant 0 : i32
    %dma_start3A_118 = arith.constant 0 : i32
    %dma_start3A_119 = tpu.memref_slice %arg11[%dma_start3A_116, %dma_start3A_117, %dma_start3A_118] : memref<4x32x128xf32, #tpu.memory_space<vmem>> -> memref<1x32x128xf32, #tpu.memory_space<vmem>>
    %dma_start3A_120 = tpu.memref_squeeze %dma_start3A_119 : memref<1x32x128xf32, #tpu.memory_space<vmem>> -> memref<32x128xf32, #tpu.memory_space<vmem>>
    %dma_start3A_121 = arith.constant 0 : i32
    %dma_start3A_122 = tpu.memref_slice %arg4[%dma_start3A_121, %multiple_of3A_115] : memref<32x1000000xf32, #tpu.memory_space<hbm>> -> memref<32x128xf32, #tpu.memory_space<hbm>>
    %dma_start3A_123 = arith.constant 0 : i32
    %dma_start3A_124 = arith.constant 0 : i32
    %dma_start3A_125 = tpu.memref_slice %arg11[%dma_start3A_116, %dma_start3A_123, %dma_start3A_124] : memref<4x32x128xf32, #tpu.memory_space<vmem>> -> memref<1x32x128xf32, #tpu.memory_space<vmem>>
    %dma_start3A_126 = tpu.memref_squeeze %dma_start3A_125 : memref<1x32x128xf32, #tpu.memory_space<vmem>> -> memref<32x128xf32, #tpu.memory_space<vmem>>
    %dma_start3A_127 = arith.constant 0 : i32
    %dma_start3A_128 = tpu.memref_slice %arg4[%dma_start3A_127, %multiple_of3A_115] : memref<32x1000000xf32, #tpu.memory_space<hbm>> -> memref<32x128xf32, #tpu.memory_space<hbm>>
    tpu.enqueue_dma source(%dma_start3A_128 : memref<32x128xf32, #tpu.memory_space<hbm>>) target(%dma_start3A_126 : memref<32x128xf32, #tpu.memory_space<vmem>>) target_semaphore(%arg16 : memref<!tpu.dma_semaphore, #tpu.memory_space<semaphore_mem>>)
    %get3A_129 = arith.constant 2 : i32
    %get3A_130 = arith.index_cast %get3A_129 : i32 to index
    %get3A_131 = memref.load %arg8[%get3A_130] : memref<512xi32, #tpu.memory_space<smem>>
    %shift_right_arithmetic3A_132 = arith.constant 7 : i32
    %shift_right_arithmetic3A_133 = arith.shrsi %get3A_131, %shift_right_arithmetic3A_132 : i32
    %mul3A_134 = arith.constant 128 : i32
    %mul3A_135 = arith.muli %shift_right_arithmetic3A_133, %mul3A_134 : i32
    %multiple_of3A_136 = tpu.assume_multiple %mul3A_135, 128 : i32
    %dma_start3A_137 = arith.constant 2 : i32
    %dma_start3A_138 = arith.constant 0 : i32
    %dma_start3A_139 = arith.constant 0 : i32
    %dma_start3A_140 = tpu.memref_slice %arg12[%dma_start3A_137, %dma_start3A_138, %dma_start3A_139] : memref<4x32x128xf32, #tpu.memory_space<vmem>> -> memref<1x32x128xf32, #tpu.memory_space<vmem>>
    %dma_start3A_141 = tpu.memref_squeeze %dma_start3A_140 : memref<1x32x128xf32, #tpu.memory_space<vmem>> -> memref<32x128xf32, #tpu.memory_space<vmem>>
    %dma_start3A_142 = arith.constant 0 : i32
    %dma_start3A_143 = tpu.memref_slice %arg5[%dma_start3A_142, %multiple_of3A_136] : memref<32x1000000xf32, #tpu.memory_space<hbm>> -> memref<32x128xf32, #tpu.memory_space<hbm>>
    %dma_start3A_144 = arith.constant 0 : i32
    %dma_start3A_145 = arith.constant 0 : i32
    %dma_start3A_146 = tpu.memref_slice %arg12[%dma_start3A_137, %dma_start3A_144, %dma_start3A_145] : memref<4x32x128xf32, #tpu.memory_space<vmem>> -> memref<1x32x128xf32, #tpu.memory_space<vmem>>
    %dma_start3A_147 = tpu.memref_squeeze %dma_start3A_146 : memref<1x32x128xf32, #tpu.memory_space<vmem>> -> memref<32x128xf32, #tpu.memory_space<vmem>>
    %dma_start3A_148 = arith.constant 0 : i32
    %dma_start3A_149 = tpu.memref_slice %arg5[%dma_start3A_148, %multiple_of3A_136] : memref<32x1000000xf32, #tpu.memory_space<hbm>> -> memref<32x128xf32, #tpu.memory_space<hbm>>
    tpu.enqueue_dma source(%dma_start3A_149 : memref<32x128xf32, #tpu.memory_space<hbm>>) target(%dma_start3A_147 : memref<32x128xf32, #tpu.memory_space<vmem>>) target_semaphore(%arg16 : memref<!tpu.dma_semaphore, #tpu.memory_space<semaphore_mem>>)
    %get3A_150 = arith.constant 3 : i32
    %get3A_151 = arith.index_cast %get3A_150 : i32 to index
    %get3A_152 = memref.load %arg7[%get3A_151] : memref<512xi32, #tpu.memory_space<smem>>
    %shift_right_arithmetic3A_153 = arith.constant 7 : i32
    %shift_right_arithmetic3A_154 = arith.shrsi %get3A_152, %shift_right_arithmetic3A_153 : i32
    %mul3A_155 = arith.constant 128 : i32
    %mul3A_156 = arith.muli %shift_right_arithmetic3A_154, %mul3A_155 : i32
    %multiple_of3A_157 = tpu.assume_multiple %mul3A_156, 128 : i32
    %dma_start3A_158 = arith.constant 3 : i32
    %dma_start3A_159 = arith.constant 0 : i32
    %dma_start3A_160 = arith.constant 0 : i32
    %dma_start3A_161 = tpu.memref_slice %arg11[%dma_start3A_158, %dma_start3A_159, %dma_start3A_160] : memref<4x32x128xf32, #tpu.memory_space<vmem>> -> memref<1x32x128xf32, #tpu.memory_space<vmem>>
    %dma_start3A_162 = tpu.memref_squeeze %dma_start3A_161 : memref<1x32x128xf32, #tpu.memory_space<vmem>> -> memref<32x128xf32, #tpu.memory_space<vmem>>
    %dma_start3A_163 = arith.constant 0 : i32
    %dma_start3A_164 = tpu.memref_slice %arg4[%dma_start3A_163, %multiple_of3A_157] : memref<32x1000000xf32, #tpu.memory_space<hbm>> -> memref<32x128xf32, #tpu.memory_space<hbm>>
    %dma_start3A_165 = arith.constant 0 : i32
    %dma_start3A_166 = arith.constant 0 : i32
    %dma_start3A_167 = tpu.memref_slice %arg11[%dma_start3A_158, %dma_start3A_165, %dma_start3A_166] : memref<4x32x128xf32, #tpu.memory_space<vmem>> -> memref<1x32x128xf32, #tpu.memory_space<vmem>>
    %dma_start3A_168 = tpu.memref_squeeze %dma_start3A_167 : memref<1x32x128xf32, #tpu.memory_space<vmem>> -> memref<32x128xf32, #tpu.memory_space<vmem>>
    %dma_start3A_169 = arith.constant 0 : i32
    %dma_start3A_170 = tpu.memref_slice %arg4[%dma_start3A_169, %multiple_of3A_157] : memref<32x1000000xf32, #tpu.memory_space<hbm>> -> memref<32x128xf32, #tpu.memory_space<hbm>>
    tpu.enqueue_dma source(%dma_start3A_170 : memref<32x128xf32, #tpu.memory_space<hbm>>) target(%dma_start3A_168 : memref<32x128xf32, #tpu.memory_space<vmem>>) target_semaphore(%arg16 : memref<!tpu.dma_semaphore, #tpu.memory_space<semaphore_mem>>)
    %get3A_171 = arith.constant 3 : i32
    %get3A_172 = arith.index_cast %get3A_171 : i32 to index
    %get3A_173 = memref.load %arg8[%get3A_172] : memref<512xi32, #tpu.memory_space<smem>>
    %shift_right_arithmetic3A_174 = arith.constant 7 : i32
    %shift_right_arithmetic3A_175 = arith.shrsi %get3A_173, %shift_right_arithmetic3A_174 : i32
    %mul3A_176 = arith.constant 128 : i32
    %mul3A_177 = arith.muli %shift_right_arithmetic3A_175, %mul3A_176 : i32
    %multiple_of3A_178 = tpu.assume_multiple %mul3A_177, 128 : i32
    %dma_start3A_179 = arith.constant 3 : i32
    %dma_start3A_180 = arith.constant 0 : i32
    %dma_start3A_181 = arith.constant 0 : i32
    %dma_start3A_182 = tpu.memref_slice %arg12[%dma_start3A_179, %dma_start3A_180, %dma_start3A_181] : memref<4x32x128xf32, #tpu.memory_space<vmem>> -> memref<1x32x128xf32, #tpu.memory_space<vmem>>
    %dma_start3A_183 = tpu.memref_squeeze %dma_start3A_182 : memref<1x32x128xf32, #tpu.memory_space<vmem>> -> memref<32x128xf32, #tpu.memory_space<vmem>>
    %dma_start3A_184 = arith.constant 0 : i32
    %dma_start3A_185 = tpu.memref_slice %arg5[%dma_start3A_184, %multiple_of3A_178] : memref<32x1000000xf32, #tpu.memory_space<hbm>> -> memref<32x128xf32, #tpu.memory_space<hbm>>
    %dma_start3A_186 = arith.constant 0 : i32
    %dma_start3A_187 = arith.constant 0 : i32
    %dma_start3A_188 = tpu.memref_slice %arg12[%dma_start3A_179, %dma_start3A_186, %dma_start3A_187] : memref<4x32x128xf32, #tpu.memory_space<vmem>> -> memref<1x32x128xf32, #tpu.memory_space<vmem>>
    %dma_start3A_189 = tpu.memref_squeeze %dma_start3A_188 : memref<1x32x128xf32, #tpu.memory_space<vmem>> -> memref<32x128xf32, #tpu.memory_space<vmem>>
    %dma_start3A_190 = arith.constant 0 : i32
    %dma_start3A_191 = tpu.memref_slice %arg5[%dma_start3A_190, %multiple_of3A_178] : memref<32x1000000xf32, #tpu.memory_space<hbm>> -> memref<32x128xf32, #tpu.memory_space<hbm>>
    tpu.enqueue_dma source(%dma_start3A_191 : memref<32x128xf32, #tpu.memory_space<hbm>>) target(%dma_start3A_189 : memref<32x128xf32, #tpu.memory_space<vmem>>) target_semaphore(%arg16 : memref<!tpu.dma_semaphore, #tpu.memory_space<semaphore_mem>>)
    %broadcast_in_dim3A = arith.constant 0.000000e+00 : f32
    %broadcast_in_dim3A_192 = vector.broadcast %broadcast_in_dim3A : f32 to vector<16xf32>
    %scan3A_193 = arith.constant 0 : i32
    %scan3A_194 = arith.constant 64 : i32
    %scan3A_195 = arith.addi %scan3A_193, %scan3A_194 : i32
    %scan3A_196 = arith.constant 1 : i32
    %scan3A_197 = scf.for %scan3A_199 = %scan3A_193 to %scan3A_195 step %scan3A_196 iter_args(%scan3A_200 = %broadcast_in_dim3A_192) -> (vector<16xf32>)  : i32 {
      %mul3A_201 = arith.constant 2 : i32
      %mul3A_202 = arith.muli %scan3A_199, %mul3A_201 : i32
      %add3A_203 = arith.constant 1 : i32
      %add3A_204 = arith.addi %mul3A_202, %add3A_203 : i32
      %lt3A_205 = arith.constant 128 : i32
      %lt3A_206 = arith.cmpi slt, %add3A_204, %lt3A_205 : i32
      %convert_element_type3A = arith.extui %lt3A_206 : i1 to i32
      %cond3A = arith.constant 0 : i32
      %cond3A_207 = arith.cmpi ne, %convert_element_type3A, %cond3A : i32
      scf.if %cond3A_207 {
        %mul3A_760 = arith.constant 4 : i32
        %mul3A_761 = arith.muli %add3A_204, %mul3A_760 : i32
        %add3A_762 = arith.constant 0 : i32
        %add3A_763 = arith.addi %mul3A_761, %add3A_762 : i32
        %get3A_764 = arith.index_cast %add3A_763 : i32 to index
        %get3A_765 = memref.load %arg7[%get3A_764] : memref<512xi32, #tpu.memory_space<smem>>
        %shift_right_arithmetic3A_766 = arith.constant 7 : i32
        %shift_right_arithmetic3A_767 = arith.shrsi %get3A_765, %shift_right_arithmetic3A_766 : i32
        %mul3A_768 = arith.constant 128 : i32
        %mul3A_769 = arith.muli %shift_right_arithmetic3A_767, %mul3A_768 : i32
        %multiple_of3A_770 = tpu.assume_multiple %mul3A_769, 128 : i32
        %dma_start3A_771 = arith.constant 0 : i32
        %dma_start3A_772 = arith.constant 0 : i32
        %dma_start3A_773 = arith.constant 0 : i32
        %dma_start3A_774 = tpu.memref_slice %arg13[%dma_start3A_771, %dma_start3A_772, %dma_start3A_773] : memref<4x32x128xf32, #tpu.memory_space<vmem>> -> memref<1x32x128xf32, #tpu.memory_space<vmem>>
        %dma_start3A_775 = tpu.memref_squeeze %dma_start3A_774 : memref<1x32x128xf32, #tpu.memory_space<vmem>> -> memref<32x128xf32, #tpu.memory_space<vmem>>
        %dma_start3A_776 = arith.constant 0 : i32
        %dma_start3A_777 = tpu.memref_slice %arg4[%dma_start3A_776, %multiple_of3A_770] : memref<32x1000000xf32, #tpu.memory_space<hbm>> -> memref<32x128xf32, #tpu.memory_space<hbm>>
        %dma_start3A_778 = arith.constant 0 : i32
        %dma_start3A_779 = arith.constant 0 : i32
        %dma_start3A_780 = tpu.memref_slice %arg13[%dma_start3A_771, %dma_start3A_778, %dma_start3A_779] : memref<4x32x128xf32, #tpu.memory_space<vmem>> -> memref<1x32x128xf32, #tpu.memory_space<vmem>>
        %dma_start3A_781 = tpu.memref_squeeze %dma_start3A_780 : memref<1x32x128xf32, #tpu.memory_space<vmem>> -> memref<32x128xf32, #tpu.memory_space<vmem>>
        %dma_start3A_782 = arith.constant 0 : i32
        %dma_start3A_783 = tpu.memref_slice %arg4[%dma_start3A_782, %multiple_of3A_770] : memref<32x1000000xf32, #tpu.memory_space<hbm>> -> memref<32x128xf32, #tpu.memory_space<hbm>>
        tpu.enqueue_dma source(%dma_start3A_783 : memref<32x128xf32, #tpu.memory_space<hbm>>) target(%dma_start3A_781 : memref<32x128xf32, #tpu.memory_space<vmem>>) target_semaphore(%arg17 : memref<!tpu.dma_semaphore, #tpu.memory_space<semaphore_mem>>)
        %mul3A_784 = arith.constant 4 : i32
        %mul3A_785 = arith.muli %add3A_204, %mul3A_784 : i32
        %add3A_786 = arith.constant 0 : i32
        %add3A_787 = arith.addi %mul3A_785, %add3A_786 : i32
        %get3A_788 = arith.index_cast %add3A_787 : i32 to index
        %get3A_789 = memref.load %arg8[%get3A_788] : memref<512xi32, #tpu.memory_space<smem>>
        %shift_right_arithmetic3A_790 = arith.constant 7 : i32
        %shift_right_arithmetic3A_791 = arith.shrsi %get3A_789, %shift_right_arithmetic3A_790 : i32
        %mul3A_792 = arith.constant 128 : i32
        %mul3A_793 = arith.muli %shift_right_arithmetic3A_791, %mul3A_792 : i32
        %multiple_of3A_794 = tpu.assume_multiple %mul3A_793, 128 : i32
        %dma_start3A_795 = arith.constant 0 : i32
        %dma_start3A_796 = arith.constant 0 : i32
        %dma_start3A_797 = arith.constant 0 : i32
        %dma_start3A_798 = tpu.memref_slice %arg14[%dma_start3A_795, %dma_start3A_796, %dma_start3A_797] : memref<4x32x128xf32, #tpu.memory_space<vmem>> -> memref<1x32x128xf32, #tpu.memory_space<vmem>>
        %dma_start3A_799 = tpu.memref_squeeze %dma_start3A_798 : memref<1x32x128xf32, #tpu.memory_space<vmem>> -> memref<32x128xf32, #tpu.memory_space<vmem>>
        %dma_start3A_800 = arith.constant 0 : i32
        %dma_start3A_801 = tpu.memref_slice %arg5[%dma_start3A_800, %multiple_of3A_794] : memref<32x1000000xf32, #tpu.memory_space<hbm>> -> memref<32x128xf32, #tpu.memory_space<hbm>>
        %dma_start3A_802 = arith.constant 0 : i32
        %dma_start3A_803 = arith.constant 0 : i32
        %dma_start3A_804 = tpu.memref_slice %arg14[%dma_start3A_795, %dma_start3A_802, %dma_start3A_803] : memref<4x32x128xf32, #tpu.memory_space<vmem>> -> memref<1x32x128xf32, #tpu.memory_space<vmem>>
        %dma_start3A_805 = tpu.memref_squeeze %dma_start3A_804 : memref<1x32x128xf32, #tpu.memory_space<vmem>> -> memref<32x128xf32, #tpu.memory_space<vmem>>
        %dma_start3A_806 = arith.constant 0 : i32
        %dma_start3A_807 = tpu.memref_slice %arg5[%dma_start3A_806, %multiple_of3A_794] : memref<32x1000000xf32, #tpu.memory_space<hbm>> -> memref<32x128xf32, #tpu.memory_space<hbm>>
        tpu.enqueue_dma source(%dma_start3A_807 : memref<32x128xf32, #tpu.memory_space<hbm>>) target(%dma_start3A_805 : memref<32x128xf32, #tpu.memory_space<vmem>>) target_semaphore(%arg17 : memref<!tpu.dma_semaphore, #tpu.memory_space<semaphore_mem>>)
        %mul3A_808 = arith.constant 4 : i32
        %mul3A_809 = arith.muli %add3A_204, %mul3A_808 : i32
        %add3A_810 = arith.constant 1 : i32
        %add3A_811 = arith.addi %mul3A_809, %add3A_810 : i32
        %get3A_812 = arith.index_cast %add3A_811 : i32 to index
        %get3A_813 = memref.load %arg7[%get3A_812] : memref<512xi32, #tpu.memory_space<smem>>
        %shift_right_arithmetic3A_814 = arith.constant 7 : i32
        %shift_right_arithmetic3A_815 = arith.shrsi %get3A_813, %shift_right_arithmetic3A_814 : i32
        %mul3A_816 = arith.constant 128 : i32
        %mul3A_817 = arith.muli %shift_right_arithmetic3A_815, %mul3A_816 : i32
        %multiple_of3A_818 = tpu.assume_multiple %mul3A_817, 128 : i32
        %dma_start3A_819 = arith.constant 1 : i32
        %dma_start3A_820 = arith.constant 0 : i32
        %dma_start3A_821 = arith.constant 0 : i32
        %dma_start3A_822 = tpu.memref_slice %arg13[%dma_start3A_819, %dma_start3A_820, %dma_start3A_821] : memref<4x32x128xf32, #tpu.memory_space<vmem>> -> memref<1x32x128xf32, #tpu.memory_space<vmem>>
        %dma_start3A_823 = tpu.memref_squeeze %dma_start3A_822 : memref<1x32x128xf32, #tpu.memory_space<vmem>> -> memref<32x128xf32, #tpu.memory_space<vmem>>
        %dma_start3A_824 = arith.constant 0 : i32
        %dma_start3A_825 = tpu.memref_slice %arg4[%dma_start3A_824, %multiple_of3A_818] : memref<32x1000000xf32, #tpu.memory_space<hbm>> -> memref<32x128xf32, #tpu.memory_space<hbm>>
        %dma_start3A_826 = arith.constant 0 : i32
        %dma_start3A_827 = arith.constant 0 : i32
        %dma_start3A_828 = tpu.memref_slice %arg13[%dma_start3A_819, %dma_start3A_826, %dma_start3A_827] : memref<4x32x128xf32, #tpu.memory_space<vmem>> -> memref<1x32x128xf32, #tpu.memory_space<vmem>>
        %dma_start3A_829 = tpu.memref_squeeze %dma_start3A_828 : memref<1x32x128xf32, #tpu.memory_space<vmem>> -> memref<32x128xf32, #tpu.memory_space<vmem>>
        %dma_start3A_830 = arith.constant 0 : i32
        %dma_start3A_831 = tpu.memref_slice %arg4[%dma_start3A_830, %multiple_of3A_818] : memref<32x1000000xf32, #tpu.memory_space<hbm>> -> memref<32x128xf32, #tpu.memory_space<hbm>>
        tpu.enqueue_dma source(%dma_start3A_831 : memref<32x128xf32, #tpu.memory_space<hbm>>) target(%dma_start3A_829 : memref<32x128xf32, #tpu.memory_space<vmem>>) target_semaphore(%arg17 : memref<!tpu.dma_semaphore, #tpu.memory_space<semaphore_mem>>)
        %mul3A_832 = arith.constant 4 : i32
        %mul3A_833 = arith.muli %add3A_204, %mul3A_832 : i32
        %add3A_834 = arith.constant 1 : i32
        %add3A_835 = arith.addi %mul3A_833, %add3A_834 : i32
        %get3A_836 = arith.index_cast %add3A_835 : i32 to index
        %get3A_837 = memref.load %arg8[%get3A_836] : memref<512xi32, #tpu.memory_space<smem>>
        %shift_right_arithmetic3A_838 = arith.constant 7 : i32
        %shift_right_arithmetic3A_839 = arith.shrsi %get3A_837, %shift_right_arithmetic3A_838 : i32
        %mul3A_840 = arith.constant 128 : i32
        %mul3A_841 = arith.muli %shift_right_arithmetic3A_839, %mul3A_840 : i32
        %multiple_of3A_842 = tpu.assume_multiple %mul3A_841, 128 : i32
        %dma_start3A_843 = arith.constant 1 : i32
        %dma_start3A_844 = arith.constant 0 : i32
        %dma_start3A_845 = arith.constant 0 : i32
        %dma_start3A_846 = tpu.memref_slice %arg14[%dma_start3A_843, %dma_start3A_844, %dma_start3A_845] : memref<4x32x128xf32, #tpu.memory_space<vmem>> -> memref<1x32x128xf32, #tpu.memory_space<vmem>>
        %dma_start3A_847 = tpu.memref_squeeze %dma_start3A_846 : memref<1x32x128xf32, #tpu.memory_space<vmem>> -> memref<32x128xf32, #tpu.memory_space<vmem>>
        %dma_start3A_848 = arith.constant 0 : i32
        %dma_start3A_849 = tpu.memref_slice %arg5[%dma_start3A_848, %multiple_of3A_842] : memref<32x1000000xf32, #tpu.memory_space<hbm>> -> memref<32x128xf32, #tpu.memory_space<hbm>>
        %dma_start3A_850 = arith.constant 0 : i32
        %dma_start3A_851 = arith.constant 0 : i32
        %dma_start3A_852 = tpu.memref_slice %arg14[%dma_start3A_843, %dma_start3A_850, %dma_start3A_851] : memref<4x32x128xf32, #tpu.memory_space<vmem>> -> memref<1x32x128xf32, #tpu.memory_space<vmem>>
        %dma_start3A_853 = tpu.memref_squeeze %dma_start3A_852 : memref<1x32x128xf32, #tpu.memory_space<vmem>> -> memref<32x128xf32, #tpu.memory_space<vmem>>
        %dma_start3A_854 = arith.constant 0 : i32
        %dma_start3A_855 = tpu.memref_slice %arg5[%dma_start3A_854, %multiple_of3A_842] : memref<32x1000000xf32, #tpu.memory_space<hbm>> -> memref<32x128xf32, #tpu.memory_space<hbm>>
        tpu.enqueue_dma source(%dma_start3A_855 : memref<32x128xf32, #tpu.memory_space<hbm>>) target(%dma_start3A_853 : memref<32x128xf32, #tpu.memory_space<vmem>>) target_semaphore(%arg17 : memref<!tpu.dma_semaphore, #tpu.memory_space<semaphore_mem>>)
        %mul3A_856 = arith.constant 4 : i32
        %mul3A_857 = arith.muli %add3A_204, %mul3A_856 : i32
        %add3A_858 = arith.constant 2 : i32
        %add3A_859 = arith.addi %mul3A_857, %add3A_858 : i32
        %get3A_860 = arith.index_cast %add3A_859 : i32 to index
        %get3A_861 = memref.load %arg7[%get3A_860] : memref<512xi32, #tpu.memory_space<smem>>
        %shift_right_arithmetic3A_862 = arith.constant 7 : i32
        %shift_right_arithmetic3A_863 = arith.shrsi %get3A_861, %shift_right_arithmetic3A_862 : i32
        %mul3A_864 = arith.constant 128 : i32
        %mul3A_865 = arith.muli %shift_right_arithmetic3A_863, %mul3A_864 : i32
        %multiple_of3A_866 = tpu.assume_multiple %mul3A_865, 128 : i32
        %dma_start3A_867 = arith.constant 2 : i32
        %dma_start3A_868 = arith.constant 0 : i32
        %dma_start3A_869 = arith.constant 0 : i32
        %dma_start3A_870 = tpu.memref_slice %arg13[%dma_start3A_867, %dma_start3A_868, %dma_start3A_869] : memref<4x32x128xf32, #tpu.memory_space<vmem>> -> memref<1x32x128xf32, #tpu.memory_space<vmem>>
        %dma_start3A_871 = tpu.memref_squeeze %dma_start3A_870 : memref<1x32x128xf32, #tpu.memory_space<vmem>> -> memref<32x128xf32, #tpu.memory_space<vmem>>
        %dma_start3A_872 = arith.constant 0 : i32
        %dma_start3A_873 = tpu.memref_slice %arg4[%dma_start3A_872, %multiple_of3A_866] : memref<32x1000000xf32, #tpu.memory_space<hbm>> -> memref<32x128xf32, #tpu.memory_space<hbm>>
        %dma_start3A_874 = arith.constant 0 : i32
        %dma_start3A_875 = arith.constant 0 : i32
        %dma_start3A_876 = tpu.memref_slice %arg13[%dma_start3A_867, %dma_start3A_874, %dma_start3A_875] : memref<4x32x128xf32, #tpu.memory_space<vmem>> -> memref<1x32x128xf32, #tpu.memory_space<vmem>>
        %dma_start3A_877 = tpu.memref_squeeze %dma_start3A_876 : memref<1x32x128xf32, #tpu.memory_space<vmem>> -> memref<32x128xf32, #tpu.memory_space<vmem>>
        %dma_start3A_878 = arith.constant 0 : i32
        %dma_start3A_879 = tpu.memref_slice %arg4[%dma_start3A_878, %multiple_of3A_866] : memref<32x1000000xf32, #tpu.memory_space<hbm>> -> memref<32x128xf32, #tpu.memory_space<hbm>>
        tpu.enqueue_dma source(%dma_start3A_879 : memref<32x128xf32, #tpu.memory_space<hbm>>) target(%dma_start3A_877 : memref<32x128xf32, #tpu.memory_space<vmem>>) target_semaphore(%arg17 : memref<!tpu.dma_semaphore, #tpu.memory_space<semaphore_mem>>)
        %mul3A_880 = arith.constant 4 : i32
        %mul3A_881 = arith.muli %add3A_204, %mul3A_880 : i32
        %add3A_882 = arith.constant 2 : i32
        %add3A_883 = arith.addi %mul3A_881, %add3A_882 : i32
        %get3A_884 = arith.index_cast %add3A_883 : i32 to index
        %get3A_885 = memref.load %arg8[%get3A_884] : memref<512xi32, #tpu.memory_space<smem>>
        %shift_right_arithmetic3A_886 = arith.constant 7 : i32
        %shift_right_arithmetic3A_887 = arith.shrsi %get3A_885, %shift_right_arithmetic3A_886 : i32
        %mul3A_888 = arith.constant 128 : i32
        %mul3A_889 = arith.muli %shift_right_arithmetic3A_887, %mul3A_888 : i32
        %multiple_of3A_890 = tpu.assume_multiple %mul3A_889, 128 : i32
        %dma_start3A_891 = arith.constant 2 : i32
        %dma_start3A_892 = arith.constant 0 : i32
        %dma_start3A_893 = arith.constant 0 : i32
        %dma_start3A_894 = tpu.memref_slice %arg14[%dma_start3A_891, %dma_start3A_892, %dma_start3A_893] : memref<4x32x128xf32, #tpu.memory_space<vmem>> -> memref<1x32x128xf32, #tpu.memory_space<vmem>>
        %dma_start3A_895 = tpu.memref_squeeze %dma_start3A_894 : memref<1x32x128xf32, #tpu.memory_space<vmem>> -> memref<32x128xf32, #tpu.memory_space<vmem>>
        %dma_start3A_896 = arith.constant 0 : i32
        %dma_start3A_897 = tpu.memref_slice %arg5[%dma_start3A_896, %multiple_of3A_890] : memref<32x1000000xf32, #tpu.memory_space<hbm>> -> memref<32x128xf32, #tpu.memory_space<hbm>>
        %dma_start3A_898 = arith.constant 0 : i32
        %dma_start3A_899 = arith.constant 0 : i32
        %dma_start3A_900 = tpu.memref_slice %arg14[%dma_start3A_891, %dma_start3A_898, %dma_start3A_899] : memref<4x32x128xf32, #tpu.memory_space<vmem>> -> memref<1x32x128xf32, #tpu.memory_space<vmem>>
        %dma_start3A_901 = tpu.memref_squeeze %dma_start3A_900 : memref<1x32x128xf32, #tpu.memory_space<vmem>> -> memref<32x128xf32, #tpu.memory_space<vmem>>
        %dma_start3A_902 = arith.constant 0 : i32
        %dma_start3A_903 = tpu.memref_slice %arg5[%dma_start3A_902, %multiple_of3A_890] : memref<32x1000000xf32, #tpu.memory_space<hbm>> -> memref<32x128xf32, #tpu.memory_space<hbm>>
        tpu.enqueue_dma source(%dma_start3A_903 : memref<32x128xf32, #tpu.memory_space<hbm>>) target(%dma_start3A_901 : memref<32x128xf32, #tpu.memory_space<vmem>>) target_semaphore(%arg17 : memref<!tpu.dma_semaphore, #tpu.memory_space<semaphore_mem>>)
        %mul3A_904 = arith.constant 4 : i32
        %mul3A_905 = arith.muli %add3A_204, %mul3A_904 : i32
        %add3A_906 = arith.constant 3 : i32
        %add3A_907 = arith.addi %mul3A_905, %add3A_906 : i32
        %get3A_908 = arith.index_cast %add3A_907 : i32 to index
        %get3A_909 = memref.load %arg7[%get3A_908] : memref<512xi32, #tpu.memory_space<smem>>
        %shift_right_arithmetic3A_910 = arith.constant 7 : i32
        %shift_right_arithmetic3A_911 = arith.shrsi %get3A_909, %shift_right_arithmetic3A_910 : i32
        %mul3A_912 = arith.constant 128 : i32
        %mul3A_913 = arith.muli %shift_right_arithmetic3A_911, %mul3A_912 : i32
        %multiple_of3A_914 = tpu.assume_multiple %mul3A_913, 128 : i32
        %dma_start3A_915 = arith.constant 3 : i32
        %dma_start3A_916 = arith.constant 0 : i32
        %dma_start3A_917 = arith.constant 0 : i32
        %dma_start3A_918 = tpu.memref_slice %arg13[%dma_start3A_915, %dma_start3A_916, %dma_start3A_917] : memref<4x32x128xf32, #tpu.memory_space<vmem>> -> memref<1x32x128xf32, #tpu.memory_space<vmem>>
        %dma_start3A_919 = tpu.memref_squeeze %dma_start3A_918 : memref<1x32x128xf32, #tpu.memory_space<vmem>> -> memref<32x128xf32, #tpu.memory_space<vmem>>
        %dma_start3A_920 = arith.constant 0 : i32
        %dma_start3A_921 = tpu.memref_slice %arg4[%dma_start3A_920, %multiple_of3A_914] : memref<32x1000000xf32, #tpu.memory_space<hbm>> -> memref<32x128xf32, #tpu.memory_space<hbm>>
        %dma_start3A_922 = arith.constant 0 : i32
        %dma_start3A_923 = arith.constant 0 : i32
        %dma_start3A_924 = tpu.memref_slice %arg13[%dma_start3A_915, %dma_start3A_922, %dma_start3A_923] : memref<4x32x128xf32, #tpu.memory_space<vmem>> -> memref<1x32x128xf32, #tpu.memory_space<vmem>>
        %dma_start3A_925 = tpu.memref_squeeze %dma_start3A_924 : memref<1x32x128xf32, #tpu.memory_space<vmem>> -> memref<32x128xf32, #tpu.memory_space<vmem>>
        %dma_start3A_926 = arith.constant 0 : i32
        %dma_start3A_927 = tpu.memref_slice %arg4[%dma_start3A_926, %multiple_of3A_914] : memref<32x1000000xf32, #tpu.memory_space<hbm>> -> memref<32x128xf32, #tpu.memory_space<hbm>>
        tpu.enqueue_dma source(%dma_start3A_927 : memref<32x128xf32, #tpu.memory_space<hbm>>) target(%dma_start3A_925 : memref<32x128xf32, #tpu.memory_space<vmem>>) target_semaphore(%arg17 : memref<!tpu.dma_semaphore, #tpu.memory_space<semaphore_mem>>)
        %mul3A_928 = arith.constant 4 : i32
        %mul3A_929 = arith.muli %add3A_204, %mul3A_928 : i32
        %add3A_930 = arith.constant 3 : i32
        %add3A_931 = arith.addi %mul3A_929, %add3A_930 : i32
        %get3A_932 = arith.index_cast %add3A_931 : i32 to index
        %get3A_933 = memref.load %arg8[%get3A_932] : memref<512xi32, #tpu.memory_space<smem>>
        %shift_right_arithmetic3A_934 = arith.constant 7 : i32
        %shift_right_arithmetic3A_935 = arith.shrsi %get3A_933, %shift_right_arithmetic3A_934 : i32
        %mul3A_936 = arith.constant 128 : i32
        %mul3A_937 = arith.muli %shift_right_arithmetic3A_935, %mul3A_936 : i32
        %multiple_of3A_938 = tpu.assume_multiple %mul3A_937, 128 : i32
        %dma_start3A_939 = arith.constant 3 : i32
        %dma_start3A_940 = arith.constant 0 : i32
        %dma_start3A_941 = arith.constant 0 : i32
        %dma_start3A_942 = tpu.memref_slice %arg14[%dma_start3A_939, %dma_start3A_940, %dma_start3A_941] : memref<4x32x128xf32, #tpu.memory_space<vmem>> -> memref<1x32x128xf32, #tpu.memory_space<vmem>>
        %dma_start3A_943 = tpu.memref_squeeze %dma_start3A_942 : memref<1x32x128xf32, #tpu.memory_space<vmem>> -> memref<32x128xf32, #tpu.memory_space<vmem>>
        %dma_start3A_944 = arith.constant 0 : i32
        %dma_start3A_945 = tpu.memref_slice %arg5[%dma_start3A_944, %multiple_of3A_938] : memref<32x1000000xf32, #tpu.memory_space<hbm>> -> memref<32x128xf32, #tpu.memory_space<hbm>>
        %dma_start3A_946 = arith.constant 0 : i32
        %dma_start3A_947 = arith.constant 0 : i32
        %dma_start3A_948 = tpu.memref_slice %arg14[%dma_start3A_939, %dma_start3A_946, %dma_start3A_947] : memref<4x32x128xf32, #tpu.memory_space<vmem>> -> memref<1x32x128xf32, #tpu.memory_space<vmem>>
        %dma_start3A_949 = tpu.memref_squeeze %dma_start3A_948 : memref<1x32x128xf32, #tpu.memory_space<vmem>> -> memref<32x128xf32, #tpu.memory_space<vmem>>
        %dma_start3A_950 = arith.constant 0 : i32
        %dma_start3A_951 = tpu.memref_slice %arg5[%dma_start3A_950, %multiple_of3A_938] : memref<32x1000000xf32, #tpu.memory_space<hbm>> -> memref<32x128xf32, #tpu.memory_space<hbm>>
        tpu.enqueue_dma source(%dma_start3A_951 : memref<32x128xf32, #tpu.memory_space<hbm>>) target(%dma_start3A_949 : memref<32x128xf32, #tpu.memory_space<vmem>>) target_semaphore(%arg17 : memref<!tpu.dma_semaphore, #tpu.memory_space<semaphore_mem>>)
      } else {
      }
      %dma_wait3A = arith.constant 0 : i32
      %dma_wait3A_208 = arith.constant 0 : i32
      %dma_wait3A_209 = arith.constant 0 : i32
      %dma_wait3A_210 = tpu.memref_slice %arg11[%dma_wait3A, %dma_wait3A_208, %dma_wait3A_209] : memref<4x32x128xf32, #tpu.memory_space<vmem>> -> memref<1x32x128xf32, #tpu.memory_space<vmem>>
      %dma_wait3A_211 = tpu.memref_squeeze %dma_wait3A_210 : memref<1x32x128xf32, #tpu.memory_space<vmem>> -> memref<32x128xf32, #tpu.memory_space<vmem>>
      %dma_wait3A_212 = arith.constant 0 : i32
      %dma_wait3A_213 = arith.constant 0 : i32
      %dma_wait3A_214 = tpu.memref_slice %arg4[%dma_wait3A_212, %dma_wait3A_213] : memref<32x1000000xf32, #tpu.memory_space<hbm>> -> memref<32x128xf32, #tpu.memory_space<hbm>>
      %dma_wait3A_215 = arith.constant 0 : i32
      %dma_wait3A_216 = arith.constant 0 : i32
      %dma_wait3A_217 = tpu.memref_slice %arg11[%dma_wait3A, %dma_wait3A_215, %dma_wait3A_216] : memref<4x32x128xf32, #tpu.memory_space<vmem>> -> memref<1x32x128xf32, #tpu.memory_space<vmem>>
      %dma_wait3A_218 = tpu.memref_squeeze %dma_wait3A_217 : memref<1x32x128xf32, #tpu.memory_space<vmem>> -> memref<32x128xf32, #tpu.memory_space<vmem>>
      %dma_wait3A_219 = arith.constant 0 : i32
      %dma_wait3A_220 = arith.constant 0 : i32
      %dma_wait3A_221 = tpu.memref_slice %arg4[%dma_wait3A_219, %dma_wait3A_220] : memref<32x1000000xf32, #tpu.memory_space<hbm>> -> memref<32x128xf32, #tpu.memory_space<hbm>>
      tpu.wait_dma2 semaphore(%arg16 : memref<!tpu.dma_semaphore, #tpu.memory_space<semaphore_mem>>) src(%dma_wait3A_221 : memref<32x128xf32, #tpu.memory_space<hbm>>) dst(%dma_wait3A_218 : memref<32x128xf32, #tpu.memory_space<vmem>>)
      %dma_wait3A_222 = arith.constant 0 : i32
      %dma_wait3A_223 = arith.constant 0 : i32
      %dma_wait3A_224 = arith.constant 0 : i32
      %dma_wait3A_225 = tpu.memref_slice %arg12[%dma_wait3A_222, %dma_wait3A_223, %dma_wait3A_224] : memref<4x32x128xf32, #tpu.memory_space<vmem>> -> memref<1x32x128xf32, #tpu.memory_space<vmem>>
      %dma_wait3A_226 = tpu.memref_squeeze %dma_wait3A_225 : memref<1x32x128xf32, #tpu.memory_space<vmem>> -> memref<32x128xf32, #tpu.memory_space<vmem>>
      %dma_wait3A_227 = arith.constant 0 : i32
      %dma_wait3A_228 = arith.constant 0 : i32
      %dma_wait3A_229 = tpu.memref_slice %arg5[%dma_wait3A_227, %dma_wait3A_228] : memref<32x1000000xf32, #tpu.memory_space<hbm>> -> memref<32x128xf32, #tpu.memory_space<hbm>>
      %dma_wait3A_230 = arith.constant 0 : i32
      %dma_wait3A_231 = arith.constant 0 : i32
      %dma_wait3A_232 = tpu.memref_slice %arg12[%dma_wait3A_222, %dma_wait3A_230, %dma_wait3A_231] : memref<4x32x128xf32, #tpu.memory_space<vmem>> -> memref<1x32x128xf32, #tpu.memory_space<vmem>>
      %dma_wait3A_233 = tpu.memref_squeeze %dma_wait3A_232 : memref<1x32x128xf32, #tpu.memory_space<vmem>> -> memref<32x128xf32, #tpu.memory_space<vmem>>
      %dma_wait3A_234 = arith.constant 0 : i32
      %dma_wait3A_235 = arith.constant 0 : i32
      %dma_wait3A_236 = tpu.memref_slice %arg5[%dma_wait3A_234, %dma_wait3A_235] : memref<32x1000000xf32, #tpu.memory_space<hbm>> -> memref<32x128xf32, #tpu.memory_space<hbm>>
      tpu.wait_dma2 semaphore(%arg16 : memref<!tpu.dma_semaphore, #tpu.memory_space<semaphore_mem>>) src(%dma_wait3A_236 : memref<32x128xf32, #tpu.memory_space<hbm>>) dst(%dma_wait3A_233 : memref<32x128xf32, #tpu.memory_space<vmem>>)
      %dma_wait3A_237 = arith.constant 1 : i32
      %dma_wait3A_238 = arith.constant 0 : i32
      %dma_wait3A_239 = arith.constant 0 : i32
      %dma_wait3A_240 = tpu.memref_slice %arg11[%dma_wait3A_237, %dma_wait3A_238, %dma_wait3A_239] : memref<4x32x128xf32, #tpu.memory_space<vmem>> -> memref<1x32x128xf32, #tpu.memory_space<vmem>>
      %dma_wait3A_241 = tpu.memref_squeeze %dma_wait3A_240 : memref<1x32x128xf32, #tpu.memory_space<vmem>> -> memref<32x128xf32, #tpu.memory_space<vmem>>
      %dma_wait3A_242 = arith.constant 0 : i32
      %dma_wait3A_243 = arith.constant 0 : i32
      %dma_wait3A_244 = tpu.memref_slice %arg4[%dma_wait3A_242, %dma_wait3A_243] : memref<32x1000000xf32, #tpu.memory_space<hbm>> -> memref<32x128xf32, #tpu.memory_space<hbm>>
      %dma_wait3A_245 = arith.constant 0 : i32
      %dma_wait3A_246 = arith.constant 0 : i32
      %dma_wait3A_247 = tpu.memref_slice %arg11[%dma_wait3A_237, %dma_wait3A_245, %dma_wait3A_246] : memref<4x32x128xf32, #tpu.memory_space<vmem>> -> memref<1x32x128xf32, #tpu.memory_space<vmem>>
      %dma_wait3A_248 = tpu.memref_squeeze %dma_wait3A_247 : memref<1x32x128xf32, #tpu.memory_space<vmem>> -> memref<32x128xf32, #tpu.memory_space<vmem>>
      %dma_wait3A_249 = arith.constant 0 : i32
      %dma_wait3A_250 = arith.constant 0 : i32
      %dma_wait3A_251 = tpu.memref_slice %arg4[%dma_wait3A_249, %dma_wait3A_250] : memref<32x1000000xf32, #tpu.memory_space<hbm>> -> memref<32x128xf32, #tpu.memory_space<hbm>>
      tpu.wait_dma2 semaphore(%arg16 : memref<!tpu.dma_semaphore, #tpu.memory_space<semaphore_mem>>) src(%dma_wait3A_251 : memref<32x128xf32, #tpu.memory_space<hbm>>) dst(%dma_wait3A_248 : memref<32x128xf32, #tpu.memory_space<vmem>>)
      %dma_wait3A_252 = arith.constant 1 : i32
      %dma_wait3A_253 = arith.constant 0 : i32
      %dma_wait3A_254 = arith.constant 0 : i32
      %dma_wait3A_255 = tpu.memref_slice %arg12[%dma_wait3A_252, %dma_wait3A_253, %dma_wait3A_254] : memref<4x32x128xf32, #tpu.memory_space<vmem>> -> memref<1x32x128xf32, #tpu.memory_space<vmem>>
      %dma_wait3A_256 = tpu.memref_squeeze %dma_wait3A_255 : memref<1x32x128xf32, #tpu.memory_space<vmem>> -> memref<32x128xf32, #tpu.memory_space<vmem>>
      %dma_wait3A_257 = arith.constant 0 : i32
      %dma_wait3A_258 = arith.constant 0 : i32
      %dma_wait3A_259 = tpu.memref_slice %arg5[%dma_wait3A_257, %dma_wait3A_258] : memref<32x1000000xf32, #tpu.memory_space<hbm>> -> memref<32x128xf32, #tpu.memory_space<hbm>>
      %dma_wait3A_260 = arith.constant 0 : i32
      %dma_wait3A_261 = arith.constant 0 : i32
      %dma_wait3A_262 = tpu.memref_slice %arg12[%dma_wait3A_252, %dma_wait3A_260, %dma_wait3A_261] : memref<4x32x128xf32, #tpu.memory_space<vmem>> -> memref<1x32x128xf32, #tpu.memory_space<vmem>>
      %dma_wait3A_263 = tpu.memref_squeeze %dma_wait3A_262 : memref<1x32x128xf32, #tpu.memory_space<vmem>> -> memref<32x128xf32, #tpu.memory_space<vmem>>
      %dma_wait3A_264 = arith.constant 0 : i32
      %dma_wait3A_265 = arith.constant 0 : i32
      %dma_wait3A_266 = tpu.memref_slice %arg5[%dma_wait3A_264, %dma_wait3A_265] : memref<32x1000000xf32, #tpu.memory_space<hbm>> -> memref<32x128xf32, #tpu.memory_space<hbm>>
      tpu.wait_dma2 semaphore(%arg16 : memref<!tpu.dma_semaphore, #tpu.memory_space<semaphore_mem>>) src(%dma_wait3A_266 : memref<32x128xf32, #tpu.memory_space<hbm>>) dst(%dma_wait3A_263 : memref<32x128xf32, #tpu.memory_space<vmem>>)
      %dma_wait3A_267 = arith.constant 2 : i32
      %dma_wait3A_268 = arith.constant 0 : i32
      %dma_wait3A_269 = arith.constant 0 : i32
      %dma_wait3A_270 = tpu.memref_slice %arg11[%dma_wait3A_267, %dma_wait3A_268, %dma_wait3A_269] : memref<4x32x128xf32, #tpu.memory_space<vmem>> -> memref<1x32x128xf32, #tpu.memory_space<vmem>>
      %dma_wait3A_271 = tpu.memref_squeeze %dma_wait3A_270 : memref<1x32x128xf32, #tpu.memory_space<vmem>> -> memref<32x128xf32, #tpu.memory_space<vmem>>
      %dma_wait3A_272 = arith.constant 0 : i32
      %dma_wait3A_273 = arith.constant 0 : i32
      %dma_wait3A_274 = tpu.memref_slice %arg4[%dma_wait3A_272, %dma_wait3A_273] : memref<32x1000000xf32, #tpu.memory_space<hbm>> -> memref<32x128xf32, #tpu.memory_space<hbm>>
      %dma_wait3A_275 = arith.constant 0 : i32
      %dma_wait3A_276 = arith.constant 0 : i32
      %dma_wait3A_277 = tpu.memref_slice %arg11[%dma_wait3A_267, %dma_wait3A_275, %dma_wait3A_276] : memref<4x32x128xf32, #tpu.memory_space<vmem>> -> memref<1x32x128xf32, #tpu.memory_space<vmem>>
      %dma_wait3A_278 = tpu.memref_squeeze %dma_wait3A_277 : memref<1x32x128xf32, #tpu.memory_space<vmem>> -> memref<32x128xf32, #tpu.memory_space<vmem>>
      %dma_wait3A_279 = arith.constant 0 : i32
      %dma_wait3A_280 = arith.constant 0 : i32
      %dma_wait3A_281 = tpu.memref_slice %arg4[%dma_wait3A_279, %dma_wait3A_280] : memref<32x1000000xf32, #tpu.memory_space<hbm>> -> memref<32x128xf32, #tpu.memory_space<hbm>>
      tpu.wait_dma2 semaphore(%arg16 : memref<!tpu.dma_semaphore, #tpu.memory_space<semaphore_mem>>) src(%dma_wait3A_281 : memref<32x128xf32, #tpu.memory_space<hbm>>) dst(%dma_wait3A_278 : memref<32x128xf32, #tpu.memory_space<vmem>>)
      %dma_wait3A_282 = arith.constant 2 : i32
      %dma_wait3A_283 = arith.constant 0 : i32
      %dma_wait3A_284 = arith.constant 0 : i32
      %dma_wait3A_285 = tpu.memref_slice %arg12[%dma_wait3A_282, %dma_wait3A_283, %dma_wait3A_284] : memref<4x32x128xf32, #tpu.memory_space<vmem>> -> memref<1x32x128xf32, #tpu.memory_space<vmem>>
      %dma_wait3A_286 = tpu.memref_squeeze %dma_wait3A_285 : memref<1x32x128xf32, #tpu.memory_space<vmem>> -> memref<32x128xf32, #tpu.memory_space<vmem>>
      %dma_wait3A_287 = arith.constant 0 : i32
      %dma_wait3A_288 = arith.constant 0 : i32
      %dma_wait3A_289 = tpu.memref_slice %arg5[%dma_wait3A_287, %dma_wait3A_288] : memref<32x1000000xf32, #tpu.memory_space<hbm>> -> memref<32x128xf32, #tpu.memory_space<hbm>>
      %dma_wait3A_290 = arith.constant 0 : i32
      %dma_wait3A_291 = arith.constant 0 : i32
      %dma_wait3A_292 = tpu.memref_slice %arg12[%dma_wait3A_282, %dma_wait3A_290, %dma_wait3A_291] : memref<4x32x128xf32, #tpu.memory_space<vmem>> -> memref<1x32x128xf32, #tpu.memory_space<vmem>>
      %dma_wait3A_293 = tpu.memref_squeeze %dma_wait3A_292 : memref<1x32x128xf32, #tpu.memory_space<vmem>> -> memref<32x128xf32, #tpu.memory_space<vmem>>
      %dma_wait3A_294 = arith.constant 0 : i32
      %dma_wait3A_295 = arith.constant 0 : i32
      %dma_wait3A_296 = tpu.memref_slice %arg5[%dma_wait3A_294, %dma_wait3A_295] : memref<32x1000000xf32, #tpu.memory_space<hbm>> -> memref<32x128xf32, #tpu.memory_space<hbm>>
      tpu.wait_dma2 semaphore(%arg16 : memref<!tpu.dma_semaphore, #tpu.memory_space<semaphore_mem>>) src(%dma_wait3A_296 : memref<32x128xf32, #tpu.memory_space<hbm>>) dst(%dma_wait3A_293 : memref<32x128xf32, #tpu.memory_space<vmem>>)
      %dma_wait3A_297 = arith.constant 3 : i32
      %dma_wait3A_298 = arith.constant 0 : i32
      %dma_wait3A_299 = arith.constant 0 : i32
      %dma_wait3A_300 = tpu.memref_slice %arg11[%dma_wait3A_297, %dma_wait3A_298, %dma_wait3A_299] : memref<4x32x128xf32, #tpu.memory_space<vmem>> -> memref<1x32x128xf32, #tpu.memory_space<vmem>>
      %dma_wait3A_301 = tpu.memref_squeeze %dma_wait3A_300 : memref<1x32x128xf32, #tpu.memory_space<vmem>> -> memref<32x128xf32, #tpu.memory_space<vmem>>
      %dma_wait3A_302 = arith.constant 0 : i32
      %dma_wait3A_303 = arith.constant 0 : i32
      %dma_wait3A_304 = tpu.memref_slice %arg4[%dma_wait3A_302, %dma_wait3A_303] : memref<32x1000000xf32, #tpu.memory_space<hbm>> -> memref<32x128xf32, #tpu.memory_space<hbm>>
      %dma_wait3A_305 = arith.constant 0 : i32
      %dma_wait3A_306 = arith.constant 0 : i32
      %dma_wait3A_307 = tpu.memref_slice %arg11[%dma_wait3A_297, %dma_wait3A_305, %dma_wait3A_306] : memref<4x32x128xf32, #tpu.memory_space<vmem>> -> memref<1x32x128xf32, #tpu.memory_space<vmem>>
      %dma_wait3A_308 = tpu.memref_squeeze %dma_wait3A_307 : memref<1x32x128xf32, #tpu.memory_space<vmem>> -> memref<32x128xf32, #tpu.memory_space<vmem>>
      %dma_wait3A_309 = arith.constant 0 : i32
      %dma_wait3A_310 = arith.constant 0 : i32
      %dma_wait3A_311 = tpu.memref_slice %arg4[%dma_wait3A_309, %dma_wait3A_310] : memref<32x1000000xf32, #tpu.memory_space<hbm>> -> memref<32x128xf32, #tpu.memory_space<hbm>>
      tpu.wait_dma2 semaphore(%arg16 : memref<!tpu.dma_semaphore, #tpu.memory_space<semaphore_mem>>) src(%dma_wait3A_311 : memref<32x128xf32, #tpu.memory_space<hbm>>) dst(%dma_wait3A_308 : memref<32x128xf32, #tpu.memory_space<vmem>>)
      %dma_wait3A_312 = arith.constant 3 : i32
      %dma_wait3A_313 = arith.constant 0 : i32
      %dma_wait3A_314 = arith.constant 0 : i32
      %dma_wait3A_315 = tpu.memref_slice %arg12[%dma_wait3A_312, %dma_wait3A_313, %dma_wait3A_314] : memref<4x32x128xf32, #tpu.memory_space<vmem>> -> memref<1x32x128xf32, #tpu.memory_space<vmem>>
      %dma_wait3A_316 = tpu.memref_squeeze %dma_wait3A_315 : memref<1x32x128xf32, #tpu.memory_space<vmem>> -> memref<32x128xf32, #tpu.memory_space<vmem>>
      %dma_wait3A_317 = arith.constant 0 : i32
      %dma_wait3A_318 = arith.constant 0 : i32
      %dma_wait3A_319 = tpu.memref_slice %arg5[%dma_wait3A_317, %dma_wait3A_318] : memref<32x1000000xf32, #tpu.memory_space<hbm>> -> memref<32x128xf32, #tpu.memory_space<hbm>>
      %dma_wait3A_320 = arith.constant 0 : i32
      %dma_wait3A_321 = arith.constant 0 : i32
      %dma_wait3A_322 = tpu.memref_slice %arg12[%dma_wait3A_312, %dma_wait3A_320, %dma_wait3A_321] : memref<4x32x128xf32, #tpu.memory_space<vmem>> -> memref<1x32x128xf32, #tpu.memory_space<vmem>>
      %dma_wait3A_323 = tpu.memref_squeeze %dma_wait3A_322 : memref<1x32x128xf32, #tpu.memory_space<vmem>> -> memref<32x128xf32, #tpu.memory_space<vmem>>
      %dma_wait3A_324 = arith.constant 0 : i32
      %dma_wait3A_325 = arith.constant 0 : i32
      %dma_wait3A_326 = tpu.memref_slice %arg5[%dma_wait3A_324, %dma_wait3A_325] : memref<32x1000000xf32, #tpu.memory_space<hbm>> -> memref<32x128xf32, #tpu.memory_space<hbm>>
      tpu.wait_dma2 semaphore(%arg16 : memref<!tpu.dma_semaphore, #tpu.memory_space<semaphore_mem>>) src(%dma_wait3A_326 : memref<32x128xf32, #tpu.memory_space<hbm>>) dst(%dma_wait3A_323 : memref<32x128xf32, #tpu.memory_space<vmem>>)
      %shift_right_arithmetic3A_327 = arith.constant 2 : i32
      %shift_right_arithmetic3A_328 = arith.shrsi %mul3A_202, %shift_right_arithmetic3A_327 : i32
      %mul3A_329 = arith.constant 16 : i32
      %mul3A_330 = arith.muli %shift_right_arithmetic3A_328, %mul3A_329 : i32
      %get3A_331 = arith.index_cast %mul3A_330 : i32 to index
      %get3A_332 = tpu.vector_load %arg9[%get3A_331] {strides = array<i32>} : memref<512xi32, #tpu.memory_space<vmem>>, vector<16xi32>,
      %and3A_333 = arith.constant 3 : i32
      %and3A_334 = arith.andi %mul3A_202, %and3A_333 : i32
      %mul3A_335 = arith.constant 4 : i32
      %mul3A_336 = arith.muli %and3A_334, %mul3A_335 : i32
      %add3A_337 = vector.broadcast %mul3A_336 : i32 to vector<16xi32>
      %add3A_338 = arith.addi %add3A_337, %and3A_9 : vector<16xi32>
      %lt3A_339 = arith.constant 0 : i32
      %lt3A_340 = vector.broadcast %lt3A_339 : i32 to vector<16xi32>
      %lt3A_341 = arith.cmpi slt, %add3A_338, %lt3A_340 : vector<16xi32>
      %add3A_342 = arith.constant 16 : i32
      %add3A_343 = vector.broadcast %add3A_342 : i32 to vector<16xi32>
      %add3A_344 = arith.addi %add3A_338, %add3A_343 : vector<16xi32>
      %select_n3A_345 = arith.select %lt3A_341, %add3A_344, %add3A_338 : vector<16xi1>, vector<16xi32>
      %broadcast_in_dim3A_346 = vector.shape_cast %select_n3A_345 : vector<16xi32> to vector<16x1xi32>
      %gather3A = vector.shape_cast %broadcast_in_dim3A_346 : vector<16x1xi32> to vector<16xi32>
      %gather3A_347 = tpu.dynamic_gather %get3A_332[%gather3A] in [0] : vector<16xi32>, vector<16xi32> -> vector<16xi32>
      %and3A_348 = arith.constant 127 : i32
      %and3A_349 = vector.broadcast %and3A_348 : i32 to vector<16xi32>
      %and3A_350 = arith.andi %gather3A_347, %and3A_349 : vector<16xi32>
      %shift_right_arithmetic3A_351 = arith.constant 2 : i32
      %shift_right_arithmetic3A_352 = arith.shrsi %mul3A_202, %shift_right_arithmetic3A_351 : i32
      %mul3A_353 = arith.constant 16 : i32
      %mul3A_354 = arith.muli %shift_right_arithmetic3A_352, %mul3A_353 : i32
      %get3A_355 = arith.index_cast %mul3A_354 : i32 to index
      %get3A_356 = tpu.vector_load %arg10[%get3A_355] {strides = array<i32>} : memref<512xi32, #tpu.memory_space<vmem>>, vector<16xi32>,
      %and3A_357 = arith.constant 3 : i32
      %and3A_358 = arith.andi %mul3A_202, %and3A_357 : i32
      %mul3A_359 = arith.constant 4 : i32
      %mul3A_360 = arith.muli %and3A_358, %mul3A_359 : i32
      %add3A_361 = vector.broadcast %mul3A_360 : i32 to vector<16xi32>
      %add3A_362 = arith.addi %add3A_361, %and3A_9 : vector<16xi32>
      %lt3A_363 = arith.constant 0 : i32
      %lt3A_364 = vector.broadcast %lt3A_363 : i32 to vector<16xi32>
      %lt3A_365 = arith.cmpi slt, %add3A_362, %lt3A_364 : vector<16xi32>
      %add3A_366 = arith.constant 16 : i32
      %add3A_367 = vector.broadcast %add3A_366 : i32 to vector<16xi32>
      %add3A_368 = arith.addi %add3A_362, %add3A_367 : vector<16xi32>
      %select_n3A_369 = arith.select %lt3A_365, %add3A_368, %add3A_362 : vector<16xi1>, vector<16xi32>
      %broadcast_in_dim3A_370 = vector.shape_cast %select_n3A_369 : vector<16xi32> to vector<16x1xi32>
      %gather3A_371 = vector.shape_cast %broadcast_in_dim3A_370 : vector<16x1xi32> to vector<16xi32>
      %gather3A_372 = tpu.dynamic_gather %get3A_356[%gather3A_371] in [0] : vector<16xi32>, vector<16xi32> -> vector<16xi32>
      %and3A_373 = arith.constant 127 : i32
      %and3A_374 = vector.broadcast %and3A_373 : i32 to vector<16xi32>
      %and3A_375 = arith.andi %gather3A_372, %and3A_374 : vector<16xi32>
      %broadcast_in_dim3A_376 = arith.constant 0.000000e+00 : f32
      %broadcast_in_dim3A_377 = vector.broadcast %broadcast_in_dim3A_376 : f32 to vector<16xf32>
      %add3A_378 = arith.constant 0 : i32
      %add3A_379 = vector.broadcast %add3A_378 : i32 to vector<16xi32>
      %add3A_380 = arith.addi %mul3A_14, %add3A_379 : vector<16xi32>
      %gather3A_381 = tpu.vector_load_idx %arg11[%and3A_9, %add3A_380, %and3A_350] : memref<4x32x128xf32, #tpu.memory_space<vmem>>[vector<16xi32>, vector<16xi32>, vector<16xi32>], vector<16xf32>,
      %gather3A_382 = tpu.vector_load_idx %arg12[%and3A_9, %add3A_380, %and3A_375] : memref<4x32x128xf32, #tpu.memory_space<vmem>>[vector<16xi32>, vector<16xi32>, vector<16xi32>], vector<16xf32>,
      %mul3A_383 = arith.mulf %gather3A_381, %gather3A_382 : vector<16xf32>
      %add3A_384 = arith.addf %broadcast_in_dim3A_377, %mul3A_383 : vector<16xf32>
      %add3A_385 = arith.constant 1 : i32
      %add3A_386 = vector.broadcast %add3A_385 : i32 to vector<16xi32>
      %add3A_387 = arith.addi %mul3A_14, %add3A_386 : vector<16xi32>
      %gather3A_388 = tpu.vector_load_idx %arg11[%and3A_9, %add3A_387, %and3A_350] : memref<4x32x128xf32, #tpu.memory_space<vmem>>[vector<16xi32>, vector<16xi32>, vector<16xi32>], vector<16xf32>,
      %gather3A_389 = tpu.vector_load_idx %arg12[%and3A_9, %add3A_387, %and3A_375] : memref<4x32x128xf32, #tpu.memory_space<vmem>>[vector<16xi32>, vector<16xi32>, vector<16xi32>], vector<16xf32>,
      %mul3A_390 = arith.mulf %gather3A_388, %gather3A_389 : vector<16xf32>
      %add3A_391 = arith.addf %add3A_384, %mul3A_390 : vector<16xf32>
      %add3A_392 = arith.constant 2 : i32
      %add3A_393 = vector.broadcast %add3A_392 : i32 to vector<16xi32>
      %add3A_394 = arith.addi %mul3A_14, %add3A_393 : vector<16xi32>
      %gather3A_395 = tpu.vector_load_idx %arg11[%and3A_9, %add3A_394, %and3A_350] : memref<4x32x128xf32, #tpu.memory_space<vmem>>[vector<16xi32>, vector<16xi32>, vector<16xi32>], vector<16xf32>,
      %gather3A_396 = tpu.vector_load_idx %arg12[%and3A_9, %add3A_394, %and3A_375] : memref<4x32x128xf32, #tpu.memory_space<vmem>>[vector<16xi32>, vector<16xi32>, vector<16xi32>], vector<16xf32>,
      %mul3A_397 = arith.mulf %gather3A_395, %gather3A_396 : vector<16xf32>
      %add3A_398 = arith.addf %add3A_391, %mul3A_397 : vector<16xf32>
      %add3A_399 = arith.constant 3 : i32
      %add3A_400 = vector.broadcast %add3A_399 : i32 to vector<16xi32>
      %add3A_401 = arith.addi %mul3A_14, %add3A_400 : vector<16xi32>
      %gather3A_402 = tpu.vector_load_idx %arg11[%and3A_9, %add3A_401, %and3A_350] : memref<4x32x128xf32, #tpu.memory_space<vmem>>[vector<16xi32>, vector<16xi32>, vector<16xi32>], vector<16xf32>,
      %gather3A_403 = tpu.vector_load_idx %arg12[%and3A_9, %add3A_401, %and3A_375] : memref<4x32x128xf32, #tpu.memory_space<vmem>>[vector<16xi32>, vector<16xi32>, vector<16xi32>], vector<16xf32>,
      %mul3A_404 = arith.mulf %gather3A_402, %gather3A_403 : vector<16xf32>
      %add3A_405 = arith.addf %add3A_398, %mul3A_404 : vector<16xf32>
      %add3A_406 = arith.constant 4 : i32
      %add3A_407 = vector.broadcast %add3A_406 : i32 to vector<16xi32>
      %add3A_408 = arith.addi %mul3A_14, %add3A_407 : vector<16xi32>
      %gather3A_409 = tpu.vector_load_idx %arg11[%and3A_9, %add3A_408, %and3A_350] : memref<4x32x128xf32, #tpu.memory_space<vmem>>[vector<16xi32>, vector<16xi32>, vector<16xi32>], vector<16xf32>,
      %gather3A_410 = tpu.vector_load_idx %arg12[%and3A_9, %add3A_408, %and3A_375] : memref<4x32x128xf32, #tpu.memory_space<vmem>>[vector<16xi32>, vector<16xi32>, vector<16xi32>], vector<16xf32>,
      %mul3A_411 = arith.mulf %gather3A_409, %gather3A_410 : vector<16xf32>
      %add3A_412 = arith.addf %add3A_405, %mul3A_411 : vector<16xf32>
      %add3A_413 = arith.constant 5 : i32
      %add3A_414 = vector.broadcast %add3A_413 : i32 to vector<16xi32>
      %add3A_415 = arith.addi %mul3A_14, %add3A_414 : vector<16xi32>
      %gather3A_416 = tpu.vector_load_idx %arg11[%and3A_9, %add3A_415, %and3A_350] : memref<4x32x128xf32, #tpu.memory_space<vmem>>[vector<16xi32>, vector<16xi32>, vector<16xi32>], vector<16xf32>,
      %gather3A_417 = tpu.vector_load_idx %arg12[%and3A_9, %add3A_415, %and3A_375] : memref<4x32x128xf32, #tpu.memory_space<vmem>>[vector<16xi32>, vector<16xi32>, vector<16xi32>], vector<16xf32>,
      %mul3A_418 = arith.mulf %gather3A_416, %gather3A_417 : vector<16xf32>
      %add3A_419 = arith.addf %add3A_412, %mul3A_418 : vector<16xf32>
      %add3A_420 = arith.constant 6 : i32
      %add3A_421 = vector.broadcast %add3A_420 : i32 to vector<16xi32>
      %add3A_422 = arith.addi %mul3A_14, %add3A_421 : vector<16xi32>
      %gather3A_423 = tpu.vector_load_idx %arg11[%and3A_9, %add3A_422, %and3A_350] : memref<4x32x128xf32, #tpu.memory_space<vmem>>[vector<16xi32>, vector<16xi32>, vector<16xi32>], vector<16xf32>,
      %gather3A_424 = tpu.vector_load_idx %arg12[%and3A_9, %add3A_422, %and3A_375] : memref<4x32x128xf32, #tpu.memory_space<vmem>>[vector<16xi32>, vector<16xi32>, vector<16xi32>], vector<16xf32>,
      %mul3A_425 = arith.mulf %gather3A_423, %gather3A_424 : vector<16xf32>
      %add3A_426 = arith.addf %add3A_419, %mul3A_425 : vector<16xf32>
      %add3A_427 = arith.constant 7 : i32
      %add3A_428 = vector.broadcast %add3A_427 : i32 to vector<16xi32>
      %add3A_429 = arith.addi %mul3A_14, %add3A_428 : vector<16xi32>
      %gather3A_430 = tpu.vector_load_idx %arg11[%and3A_9, %add3A_429, %and3A_350] : memref<4x32x128xf32, #tpu.memory_space<vmem>>[vector<16xi32>, vector<16xi32>, vector<16xi32>], vector<16xf32>,
      %gather3A_431 = tpu.vector_load_idx %arg12[%and3A_9, %add3A_429, %and3A_375] : memref<4x32x128xf32, #tpu.memory_space<vmem>>[vector<16xi32>, vector<16xi32>, vector<16xi32>], vector<16xf32>,
      %mul3A_432 = arith.mulf %gather3A_430, %gather3A_431 : vector<16xf32>
      %add3A_433 = arith.addf %add3A_426, %mul3A_432 : vector<16xf32>
      %lt3A_434 = arith.constant 0 : i32
      %lt3A_435 = vector.broadcast %lt3A_434 : i32 to vector<16xi32>
      %lt3A_436 = arith.cmpi slt, %select_n3A, %lt3A_435 : vector<16xi32>
      %add3A_437 = arith.constant 16 : i32
      %add3A_438 = vector.broadcast %add3A_437 : i32 to vector<16xi32>
      %add3A_439 = arith.addi %select_n3A, %add3A_438 : vector<16xi32>
      %select_n3A_440 = arith.select %lt3A_436, %add3A_439, %select_n3A : vector<16xi1>, vector<16xi32>
      %broadcast_in_dim3A_441 = vector.shape_cast %select_n3A_440 : vector<16xi32> to vector<16x1xi32>
      %gather3A_442 = vector.shape_cast %broadcast_in_dim3A_441 : vector<16x1xi32> to vector<16xi32>
      %gather3A_443 = tpu.dynamic_gather %add3A_433[%gather3A_442] in [0] : vector<16xf32>, vector<16xi32> -> vector<16xf32>
      %add3A_444 = arith.addf %add3A_433, %gather3A_443 : vector<16xf32>
      %lt3A_445 = arith.constant 0 : i32
      %lt3A_446 = vector.broadcast %lt3A_445 : i32 to vector<16xi32>
      %lt3A_447 = arith.cmpi slt, %select_n3A_26, %lt3A_446 : vector<16xi32>
      %add3A_448 = arith.constant 16 : i32
      %add3A_449 = vector.broadcast %add3A_448 : i32 to vector<16xi32>
      %add3A_450 = arith.addi %select_n3A_26, %add3A_449 : vector<16xi32>
      %select_n3A_451 = arith.select %lt3A_447, %add3A_450, %select_n3A_26 : vector<16xi1>, vector<16xi32>
      %broadcast_in_dim3A_452 = vector.shape_cast %select_n3A_451 : vector<16xi32> to vector<16x1xi32>
      %gather3A_453 = vector.shape_cast %broadcast_in_dim3A_452 : vector<16x1xi32> to vector<16xi32>
      %gather3A_454 = tpu.dynamic_gather %add3A_444[%gather3A_453] in [0] : vector<16xf32>, vector<16xi32> -> vector<16xf32>
      %add3A_455 = arith.addf %add3A_444, %gather3A_454 : vector<16xf32>
      %add3A_456 = arith.constant 2 : i32
      %add3A_457 = arith.addi %mul3A_202, %add3A_456 : i32
      %lt3A_458 = arith.constant 128 : i32
      %lt3A_459 = arith.cmpi slt, %add3A_457, %lt3A_458 : i32
      %convert_element_type3A_460 = arith.extui %lt3A_459 : i1 to i32
      %cond3A_461 = arith.constant 0 : i32
      %cond3A_462 = arith.cmpi ne, %convert_element_type3A_460, %cond3A_461 : i32
      scf.if %cond3A_462 {
        %mul3A_760 = arith.constant 4 : i32
        %mul3A_761 = arith.muli %add3A_457, %mul3A_760 : i32
        %add3A_762 = arith.constant 0 : i32
        %add3A_763 = arith.addi %mul3A_761, %add3A_762 : i32
        %get3A_764 = arith.index_cast %add3A_763 : i32 to index
        %get3A_765 = memref.load %arg7[%get3A_764] : memref<512xi32, #tpu.memory_space<smem>>
        %shift_right_arithmetic3A_766 = arith.constant 7 : i32
        %shift_right_arithmetic3A_767 = arith.shrsi %get3A_765, %shift_right_arithmetic3A_766 : i32
        %mul3A_768 = arith.constant 128 : i32
        %mul3A_769 = arith.muli %shift_right_arithmetic3A_767, %mul3A_768 : i32
        %multiple_of3A_770 = tpu.assume_multiple %mul3A_769, 128 : i32
        %dma_start3A_771 = arith.constant 0 : i32
        %dma_start3A_772 = arith.constant 0 : i32
        %dma_start3A_773 = arith.constant 0 : i32
        %dma_start3A_774 = tpu.memref_slice %arg11[%dma_start3A_771, %dma_start3A_772, %dma_start3A_773] : memref<4x32x128xf32, #tpu.memory_space<vmem>> -> memref<1x32x128xf32, #tpu.memory_space<vmem>>
        %dma_start3A_775 = tpu.memref_squeeze %dma_start3A_774 : memref<1x32x128xf32, #tpu.memory_space<vmem>> -> memref<32x128xf32, #tpu.memory_space<vmem>>
        %dma_start3A_776 = arith.constant 0 : i32
        %dma_start3A_777 = tpu.memref_slice %arg4[%dma_start3A_776, %multiple_of3A_770] : memref<32x1000000xf32, #tpu.memory_space<hbm>> -> memref<32x128xf32, #tpu.memory_space<hbm>>
        %dma_start3A_778 = arith.constant 0 : i32
        %dma_start3A_779 = arith.constant 0 : i32
        %dma_start3A_780 = tpu.memref_slice %arg11[%dma_start3A_771, %dma_start3A_778, %dma_start3A_779] : memref<4x32x128xf32, #tpu.memory_space<vmem>> -> memref<1x32x128xf32, #tpu.memory_space<vmem>>
        %dma_start3A_781 = tpu.memref_squeeze %dma_start3A_780 : memref<1x32x128xf32, #tpu.memory_space<vmem>> -> memref<32x128xf32, #tpu.memory_space<vmem>>
        %dma_start3A_782 = arith.constant 0 : i32
        %dma_start3A_783 = tpu.memref_slice %arg4[%dma_start3A_782, %multiple_of3A_770] : memref<32x1000000xf32, #tpu.memory_space<hbm>> -> memref<32x128xf32, #tpu.memory_space<hbm>>
        tpu.enqueue_dma source(%dma_start3A_783 : memref<32x128xf32, #tpu.memory_space<hbm>>) target(%dma_start3A_781 : memref<32x128xf32, #tpu.memory_space<vmem>>) target_semaphore(%arg16 : memref<!tpu.dma_semaphore, #tpu.memory_space<semaphore_mem>>)
        %mul3A_784 = arith.constant 4 : i32
        %mul3A_785 = arith.muli %add3A_457, %mul3A_784 : i32
        %add3A_786 = arith.constant 0 : i32
        %add3A_787 = arith.addi %mul3A_785, %add3A_786 : i32
        %get3A_788 = arith.index_cast %add3A_787 : i32 to index
        %get3A_789 = memref.load %arg8[%get3A_788] : memref<512xi32, #tpu.memory_space<smem>>
        %shift_right_arithmetic3A_790 = arith.constant 7 : i32
        %shift_right_arithmetic3A_791 = arith.shrsi %get3A_789, %shift_right_arithmetic3A_790 : i32
        %mul3A_792 = arith.constant 128 : i32
        %mul3A_793 = arith.muli %shift_right_arithmetic3A_791, %mul3A_792 : i32
        %multiple_of3A_794 = tpu.assume_multiple %mul3A_793, 128 : i32
        %dma_start3A_795 = arith.constant 0 : i32
        %dma_start3A_796 = arith.constant 0 : i32
        %dma_start3A_797 = arith.constant 0 : i32
        %dma_start3A_798 = tpu.memref_slice %arg12[%dma_start3A_795, %dma_start3A_796, %dma_start3A_797] : memref<4x32x128xf32, #tpu.memory_space<vmem>> -> memref<1x32x128xf32, #tpu.memory_space<vmem>>
        %dma_start3A_799 = tpu.memref_squeeze %dma_start3A_798 : memref<1x32x128xf32, #tpu.memory_space<vmem>> -> memref<32x128xf32, #tpu.memory_space<vmem>>
        %dma_start3A_800 = arith.constant 0 : i32
        %dma_start3A_801 = tpu.memref_slice %arg5[%dma_start3A_800, %multiple_of3A_794] : memref<32x1000000xf32, #tpu.memory_space<hbm>> -> memref<32x128xf32, #tpu.memory_space<hbm>>
        %dma_start3A_802 = arith.constant 0 : i32
        %dma_start3A_803 = arith.constant 0 : i32
        %dma_start3A_804 = tpu.memref_slice %arg12[%dma_start3A_795, %dma_start3A_802, %dma_start3A_803] : memref<4x32x128xf32, #tpu.memory_space<vmem>> -> memref<1x32x128xf32, #tpu.memory_space<vmem>>
        %dma_start3A_805 = tpu.memref_squeeze %dma_start3A_804 : memref<1x32x128xf32, #tpu.memory_space<vmem>> -> memref<32x128xf32, #tpu.memory_space<vmem>>
        %dma_start3A_806 = arith.constant 0 : i32
        %dma_start3A_807 = tpu.memref_slice %arg5[%dma_start3A_806, %multiple_of3A_794] : memref<32x1000000xf32, #tpu.memory_space<hbm>> -> memref<32x128xf32, #tpu.memory_space<hbm>>
        tpu.enqueue_dma source(%dma_start3A_807 : memref<32x128xf32, #tpu.memory_space<hbm>>) target(%dma_start3A_805 : memref<32x128xf32, #tpu.memory_space<vmem>>) target_semaphore(%arg16 : memref<!tpu.dma_semaphore, #tpu.memory_space<semaphore_mem>>)
        %mul3A_808 = arith.constant 4 : i32
        %mul3A_809 = arith.muli %add3A_457, %mul3A_808 : i32
        %add3A_810 = arith.constant 1 : i32
        %add3A_811 = arith.addi %mul3A_809, %add3A_810 : i32
        %get3A_812 = arith.index_cast %add3A_811 : i32 to index
        %get3A_813 = memref.load %arg7[%get3A_812] : memref<512xi32, #tpu.memory_space<smem>>
        %shift_right_arithmetic3A_814 = arith.constant 7 : i32
        %shift_right_arithmetic3A_815 = arith.shrsi %get3A_813, %shift_right_arithmetic3A_814 : i32
        %mul3A_816 = arith.constant 128 : i32
        %mul3A_817 = arith.muli %shift_right_arithmetic3A_815, %mul3A_816 : i32
        %multiple_of3A_818 = tpu.assume_multiple %mul3A_817, 128 : i32
        %dma_start3A_819 = arith.constant 1 : i32
        %dma_start3A_820 = arith.constant 0 : i32
        %dma_start3A_821 = arith.constant 0 : i32
        %dma_start3A_822 = tpu.memref_slice %arg11[%dma_start3A_819, %dma_start3A_820, %dma_start3A_821] : memref<4x32x128xf32, #tpu.memory_space<vmem>> -> memref<1x32x128xf32, #tpu.memory_space<vmem>>
        %dma_start3A_823 = tpu.memref_squeeze %dma_start3A_822 : memref<1x32x128xf32, #tpu.memory_space<vmem>> -> memref<32x128xf32, #tpu.memory_space<vmem>>
        %dma_start3A_824 = arith.constant 0 : i32
        %dma_start3A_825 = tpu.memref_slice %arg4[%dma_start3A_824, %multiple_of3A_818] : memref<32x1000000xf32, #tpu.memory_space<hbm>> -> memref<32x128xf32, #tpu.memory_space<hbm>>
        %dma_start3A_826 = arith.constant 0 : i32
        %dma_start3A_827 = arith.constant 0 : i32
        %dma_start3A_828 = tpu.memref_slice %arg11[%dma_start3A_819, %dma_start3A_826, %dma_start3A_827] : memref<4x32x128xf32, #tpu.memory_space<vmem>> -> memref<1x32x128xf32, #tpu.memory_space<vmem>>
        %dma_start3A_829 = tpu.memref_squeeze %dma_start3A_828 : memref<1x32x128xf32, #tpu.memory_space<vmem>> -> memref<32x128xf32, #tpu.memory_space<vmem>>
        %dma_start3A_830 = arith.constant 0 : i32
        %dma_start3A_831 = tpu.memref_slice %arg4[%dma_start3A_830, %multiple_of3A_818] : memref<32x1000000xf32, #tpu.memory_space<hbm>> -> memref<32x128xf32, #tpu.memory_space<hbm>>
        tpu.enqueue_dma source(%dma_start3A_831 : memref<32x128xf32, #tpu.memory_space<hbm>>) target(%dma_start3A_829 : memref<32x128xf32, #tpu.memory_space<vmem>>) target_semaphore(%arg16 : memref<!tpu.dma_semaphore, #tpu.memory_space<semaphore_mem>>)
        %mul3A_832 = arith.constant 4 : i32
        %mul3A_833 = arith.muli %add3A_457, %mul3A_832 : i32
        %add3A_834 = arith.constant 1 : i32
        %add3A_835 = arith.addi %mul3A_833, %add3A_834 : i32
        %get3A_836 = arith.index_cast %add3A_835 : i32 to index
        %get3A_837 = memref.load %arg8[%get3A_836] : memref<512xi32, #tpu.memory_space<smem>>
        %shift_right_arithmetic3A_838 = arith.constant 7 : i32
        %shift_right_arithmetic3A_839 = arith.shrsi %get3A_837, %shift_right_arithmetic3A_838 : i32
        %mul3A_840 = arith.constant 128 : i32
        %mul3A_841 = arith.muli %shift_right_arithmetic3A_839, %mul3A_840 : i32
        %multiple_of3A_842 = tpu.assume_multiple %mul3A_841, 128 : i32
        %dma_start3A_843 = arith.constant 1 : i32
        %dma_start3A_844 = arith.constant 0 : i32
        %dma_start3A_845 = arith.constant 0 : i32
        %dma_start3A_846 = tpu.memref_slice %arg12[%dma_start3A_843, %dma_start3A_844, %dma_start3A_845] : memref<4x32x128xf32, #tpu.memory_space<vmem>> -> memref<1x32x128xf32, #tpu.memory_space<vmem>>
        %dma_start3A_847 = tpu.memref_squeeze %dma_start3A_846 : memref<1x32x128xf32, #tpu.memory_space<vmem>> -> memref<32x128xf32, #tpu.memory_space<vmem>>
        %dma_start3A_848 = arith.constant 0 : i32
        %dma_start3A_849 = tpu.memref_slice %arg5[%dma_start3A_848, %multiple_of3A_842] : memref<32x1000000xf32, #tpu.memory_space<hbm>> -> memref<32x128xf32, #tpu.memory_space<hbm>>
        %dma_start3A_850 = arith.constant 0 : i32
        %dma_start3A_851 = arith.constant 0 : i32
        %dma_start3A_852 = tpu.memref_slice %arg12[%dma_start3A_843, %dma_start3A_850, %dma_start3A_851] : memref<4x32x128xf32, #tpu.memory_space<vmem>> -> memref<1x32x128xf32, #tpu.memory_space<vmem>>
        %dma_start3A_853 = tpu.memref_squeeze %dma_start3A_852 : memref<1x32x128xf32, #tpu.memory_space<vmem>> -> memref<32x128xf32, #tpu.memory_space<vmem>>
        %dma_start3A_854 = arith.constant 0 : i32
        %dma_start3A_855 = tpu.memref_slice %arg5[%dma_start3A_854, %multiple_of3A_842] : memref<32x1000000xf32, #tpu.memory_space<hbm>> -> memref<32x128xf32, #tpu.memory_space<hbm>>
        tpu.enqueue_dma source(%dma_start3A_855 : memref<32x128xf32, #tpu.memory_space<hbm>>) target(%dma_start3A_853 : memref<32x128xf32, #tpu.memory_space<vmem>>) target_semaphore(%arg16 : memref<!tpu.dma_semaphore, #tpu.memory_space<semaphore_mem>>)
        %mul3A_856 = arith.constant 4 : i32
        %mul3A_857 = arith.muli %add3A_457, %mul3A_856 : i32
        %add3A_858 = arith.constant 2 : i32
        %add3A_859 = arith.addi %mul3A_857, %add3A_858 : i32
        %get3A_860 = arith.index_cast %add3A_859 : i32 to index
        %get3A_861 = memref.load %arg7[%get3A_860] : memref<512xi32, #tpu.memory_space<smem>>
        %shift_right_arithmetic3A_862 = arith.constant 7 : i32
        %shift_right_arithmetic3A_863 = arith.shrsi %get3A_861, %shift_right_arithmetic3A_862 : i32
        %mul3A_864 = arith.constant 128 : i32
        %mul3A_865 = arith.muli %shift_right_arithmetic3A_863, %mul3A_864 : i32
        %multiple_of3A_866 = tpu.assume_multiple %mul3A_865, 128 : i32
        %dma_start3A_867 = arith.constant 2 : i32
        %dma_start3A_868 = arith.constant 0 : i32
        %dma_start3A_869 = arith.constant 0 : i32
        %dma_start3A_870 = tpu.memref_slice %arg11[%dma_start3A_867, %dma_start3A_868, %dma_start3A_869] : memref<4x32x128xf32, #tpu.memory_space<vmem>> -> memref<1x32x128xf32, #tpu.memory_space<vmem>>
        %dma_start3A_871 = tpu.memref_squeeze %dma_start3A_870 : memref<1x32x128xf32, #tpu.memory_space<vmem>> -> memref<32x128xf32, #tpu.memory_space<vmem>>
        %dma_start3A_872 = arith.constant 0 : i32
        %dma_start3A_873 = tpu.memref_slice %arg4[%dma_start3A_872, %multiple_of3A_866] : memref<32x1000000xf32, #tpu.memory_space<hbm>> -> memref<32x128xf32, #tpu.memory_space<hbm>>
        %dma_start3A_874 = arith.constant 0 : i32
        %dma_start3A_875 = arith.constant 0 : i32
        %dma_start3A_876 = tpu.memref_slice %arg11[%dma_start3A_867, %dma_start3A_874, %dma_start3A_875] : memref<4x32x128xf32, #tpu.memory_space<vmem>> -> memref<1x32x128xf32, #tpu.memory_space<vmem>>
        %dma_start3A_877 = tpu.memref_squeeze %dma_start3A_876 : memref<1x32x128xf32, #tpu.memory_space<vmem>> -> memref<32x128xf32, #tpu.memory_space<vmem>>
        %dma_start3A_878 = arith.constant 0 : i32
        %dma_start3A_879 = tpu.memref_slice %arg4[%dma_start3A_878, %multiple_of3A_866] : memref<32x1000000xf32, #tpu.memory_space<hbm>> -> memref<32x128xf32, #tpu.memory_space<hbm>>
        tpu.enqueue_dma source(%dma_start3A_879 : memref<32x128xf32, #tpu.memory_space<hbm>>) target(%dma_start3A_877 : memref<32x128xf32, #tpu.memory_space<vmem>>) target_semaphore(%arg16 : memref<!tpu.dma_semaphore, #tpu.memory_space<semaphore_mem>>)
        %mul3A_880 = arith.constant 4 : i32
        %mul3A_881 = arith.muli %add3A_457, %mul3A_880 : i32
        %add3A_882 = arith.constant 2 : i32
        %add3A_883 = arith.addi %mul3A_881, %add3A_882 : i32
        %get3A_884 = arith.index_cast %add3A_883 : i32 to index
        %get3A_885 = memref.load %arg8[%get3A_884] : memref<512xi32, #tpu.memory_space<smem>>
        %shift_right_arithmetic3A_886 = arith.constant 7 : i32
        %shift_right_arithmetic3A_887 = arith.shrsi %get3A_885, %shift_right_arithmetic3A_886 : i32
        %mul3A_888 = arith.constant 128 : i32
        %mul3A_889 = arith.muli %shift_right_arithmetic3A_887, %mul3A_888 : i32
        %multiple_of3A_890 = tpu.assume_multiple %mul3A_889, 128 : i32
        %dma_start3A_891 = arith.constant 2 : i32
        %dma_start3A_892 = arith.constant 0 : i32
        %dma_start3A_893 = arith.constant 0 : i32
        %dma_start3A_894 = tpu.memref_slice %arg12[%dma_start3A_891, %dma_start3A_892, %dma_start3A_893] : memref<4x32x128xf32, #tpu.memory_space<vmem>> -> memref<1x32x128xf32, #tpu.memory_space<vmem>>
        %dma_start3A_895 = tpu.memref_squeeze %dma_start3A_894 : memref<1x32x128xf32, #tpu.memory_space<vmem>> -> memref<32x128xf32, #tpu.memory_space<vmem>>
        %dma_start3A_896 = arith.constant 0 : i32
        %dma_start3A_897 = tpu.memref_slice %arg5[%dma_start3A_896, %multiple_of3A_890] : memref<32x1000000xf32, #tpu.memory_space<hbm>> -> memref<32x128xf32, #tpu.memory_space<hbm>>
        %dma_start3A_898 = arith.constant 0 : i32
        %dma_start3A_899 = arith.constant 0 : i32
        %dma_start3A_900 = tpu.memref_slice %arg12[%dma_start3A_891, %dma_start3A_898, %dma_start3A_899] : memref<4x32x128xf32, #tpu.memory_space<vmem>> -> memref<1x32x128xf32, #tpu.memory_space<vmem>>
        %dma_start3A_901 = tpu.memref_squeeze %dma_start3A_900 : memref<1x32x128xf32, #tpu.memory_space<vmem>> -> memref<32x128xf32, #tpu.memory_space<vmem>>
        %dma_start3A_902 = arith.constant 0 : i32
        %dma_start3A_903 = tpu.memref_slice %arg5[%dma_start3A_902, %multiple_of3A_890] : memref<32x1000000xf32, #tpu.memory_space<hbm>> -> memref<32x128xf32, #tpu.memory_space<hbm>>
        tpu.enqueue_dma source(%dma_start3A_903 : memref<32x128xf32, #tpu.memory_space<hbm>>) target(%dma_start3A_901 : memref<32x128xf32, #tpu.memory_space<vmem>>) target_semaphore(%arg16 : memref<!tpu.dma_semaphore, #tpu.memory_space<semaphore_mem>>)
        %mul3A_904 = arith.constant 4 : i32
        %mul3A_905 = arith.muli %add3A_457, %mul3A_904 : i32
        %add3A_906 = arith.constant 3 : i32
        %add3A_907 = arith.addi %mul3A_905, %add3A_906 : i32
        %get3A_908 = arith.index_cast %add3A_907 : i32 to index
        %get3A_909 = memref.load %arg7[%get3A_908] : memref<512xi32, #tpu.memory_space<smem>>
        %shift_right_arithmetic3A_910 = arith.constant 7 : i32
        %shift_right_arithmetic3A_911 = arith.shrsi %get3A_909, %shift_right_arithmetic3A_910 : i32
        %mul3A_912 = arith.constant 128 : i32
        %mul3A_913 = arith.muli %shift_right_arithmetic3A_911, %mul3A_912 : i32
        %multiple_of3A_914 = tpu.assume_multiple %mul3A_913, 128 : i32
        %dma_start3A_915 = arith.constant 3 : i32
        %dma_start3A_916 = arith.constant 0 : i32
        %dma_start3A_917 = arith.constant 0 : i32
        %dma_start3A_918 = tpu.memref_slice %arg11[%dma_start3A_915, %dma_start3A_916, %dma_start3A_917] : memref<4x32x128xf32, #tpu.memory_space<vmem>> -> memref<1x32x128xf32, #tpu.memory_space<vmem>>
        %dma_start3A_919 = tpu.memref_squeeze %dma_start3A_918 : memref<1x32x128xf32, #tpu.memory_space<vmem>> -> memref<32x128xf32, #tpu.memory_space<vmem>>
        %dma_start3A_920 = arith.constant 0 : i32
        %dma_start3A_921 = tpu.memref_slice %arg4[%dma_start3A_920, %multiple_of3A_914] : memref<32x1000000xf32, #tpu.memory_space<hbm>> -> memref<32x128xf32, #tpu.memory_space<hbm>>
        %dma_start3A_922 = arith.constant 0 : i32
        %dma_start3A_923 = arith.constant 0 : i32
        %dma_start3A_924 = tpu.memref_slice %arg11[%dma_start3A_915, %dma_start3A_922, %dma_start3A_923] : memref<4x32x128xf32, #tpu.memory_space<vmem>> -> memref<1x32x128xf32, #tpu.memory_space<vmem>>
        %dma_start3A_925 = tpu.memref_squeeze %dma_start3A_924 : memref<1x32x128xf32, #tpu.memory_space<vmem>> -> memref<32x128xf32, #tpu.memory_space<vmem>>
        %dma_start3A_926 = arith.constant 0 : i32
        %dma_start3A_927 = tpu.memref_slice %arg4[%dma_start3A_926, %multiple_of3A_914] : memref<32x1000000xf32, #tpu.memory_space<hbm>> -> memref<32x128xf32, #tpu.memory_space<hbm>>
        tpu.enqueue_dma source(%dma_start3A_927 : memref<32x128xf32, #tpu.memory_space<hbm>>) target(%dma_start3A_925 : memref<32x128xf32, #tpu.memory_space<vmem>>) target_semaphore(%arg16 : memref<!tpu.dma_semaphore, #tpu.memory_space<semaphore_mem>>)
        %mul3A_928 = arith.constant 4 : i32
        %mul3A_929 = arith.muli %add3A_457, %mul3A_928 : i32
        %add3A_930 = arith.constant 3 : i32
        %add3A_931 = arith.addi %mul3A_929, %add3A_930 : i32
        %get3A_932 = arith.index_cast %add3A_931 : i32 to index
        %get3A_933 = memref.load %arg8[%get3A_932] : memref<512xi32, #tpu.memory_space<smem>>
        %shift_right_arithmetic3A_934 = arith.constant 7 : i32
        %shift_right_arithmetic3A_935 = arith.shrsi %get3A_933, %shift_right_arithmetic3A_934 : i32
        %mul3A_936 = arith.constant 128 : i32
        %mul3A_937 = arith.muli %shift_right_arithmetic3A_935, %mul3A_936 : i32
        %multiple_of3A_938 = tpu.assume_multiple %mul3A_937, 128 : i32
        %dma_start3A_939 = arith.constant 3 : i32
        %dma_start3A_940 = arith.constant 0 : i32
        %dma_start3A_941 = arith.constant 0 : i32
        %dma_start3A_942 = tpu.memref_slice %arg12[%dma_start3A_939, %dma_start3A_940, %dma_start3A_941] : memref<4x32x128xf32, #tpu.memory_space<vmem>> -> memref<1x32x128xf32, #tpu.memory_space<vmem>>
        %dma_start3A_943 = tpu.memref_squeeze %dma_start3A_942 : memref<1x32x128xf32, #tpu.memory_space<vmem>> -> memref<32x128xf32, #tpu.memory_space<vmem>>
        %dma_start3A_944 = arith.constant 0 : i32
        %dma_start3A_945 = tpu.memref_slice %arg5[%dma_start3A_944, %multiple_of3A_938] : memref<32x1000000xf32, #tpu.memory_space<hbm>> -> memref<32x128xf32, #tpu.memory_space<hbm>>
        %dma_start3A_946 = arith.constant 0 : i32
        %dma_start3A_947 = arith.constant 0 : i32
        %dma_start3A_948 = tpu.memref_slice %arg12[%dma_start3A_939, %dma_start3A_946, %dma_start3A_947] : memref<4x32x128xf32, #tpu.memory_space<vmem>> -> memref<1x32x128xf32, #tpu.memory_space<vmem>>
        %dma_start3A_949 = tpu.memref_squeeze %dma_start3A_948 : memref<1x32x128xf32, #tpu.memory_space<vmem>> -> memref<32x128xf32, #tpu.memory_space<vmem>>
        %dma_start3A_950 = arith.constant 0 : i32
        %dma_start3A_951 = tpu.memref_slice %arg5[%dma_start3A_950, %multiple_of3A_938] : memref<32x1000000xf32, #tpu.memory_space<hbm>> -> memref<32x128xf32, #tpu.memory_space<hbm>>
        tpu.enqueue_dma source(%dma_start3A_951 : memref<32x128xf32, #tpu.memory_space<hbm>>) target(%dma_start3A_949 : memref<32x128xf32, #tpu.memory_space<vmem>>) target_semaphore(%arg16 : memref<!tpu.dma_semaphore, #tpu.memory_space<semaphore_mem>>)
      } else {
      }
      %add3A_463 = arith.constant 1 : i32
      %add3A_464 = arith.addi %mul3A_202, %add3A_463 : i32
      %dma_wait3A_465 = arith.constant 0 : i32
      %dma_wait3A_466 = arith.constant 0 : i32
      %dma_wait3A_467 = arith.constant 0 : i32
      %dma_wait3A_468 = tpu.memref_slice %arg13[%dma_wait3A_465, %dma_wait3A_466, %dma_wait3A_467] : memref<4x32x128xf32, #tpu.memory_space<vmem>> -> memref<1x32x128xf32, #tpu.memory_space<vmem>>
      %dma_wait3A_469 = tpu.memref_squeeze %dma_wait3A_468 : memref<1x32x128xf32, #tpu.memory_space<vmem>> -> memref<32x128xf32, #tpu.memory_space<vmem>>
      %dma_wait3A_470 = arith.constant 0 : i32
      %dma_wait3A_471 = arith.constant 0 : i32
      %dma_wait3A_472 = tpu.memref_slice %arg4[%dma_wait3A_470, %dma_wait3A_471] : memref<32x1000000xf32, #tpu.memory_space<hbm>> -> memref<32x128xf32, #tpu.memory_space<hbm>>
      %dma_wait3A_473 = arith.constant 0 : i32
      %dma_wait3A_474 = arith.constant 0 : i32
      %dma_wait3A_475 = tpu.memref_slice %arg13[%dma_wait3A_465, %dma_wait3A_473, %dma_wait3A_474] : memref<4x32x128xf32, #tpu.memory_space<vmem>> -> memref<1x32x128xf32, #tpu.memory_space<vmem>>
      %dma_wait3A_476 = tpu.memref_squeeze %dma_wait3A_475 : memref<1x32x128xf32, #tpu.memory_space<vmem>> -> memref<32x128xf32, #tpu.memory_space<vmem>>
      %dma_wait3A_477 = arith.constant 0 : i32
      %dma_wait3A_478 = arith.constant 0 : i32
      %dma_wait3A_479 = tpu.memref_slice %arg4[%dma_wait3A_477, %dma_wait3A_478] : memref<32x1000000xf32, #tpu.memory_space<hbm>> -> memref<32x128xf32, #tpu.memory_space<hbm>>
      tpu.wait_dma2 semaphore(%arg17 : memref<!tpu.dma_semaphore, #tpu.memory_space<semaphore_mem>>) src(%dma_wait3A_479 : memref<32x128xf32, #tpu.memory_space<hbm>>) dst(%dma_wait3A_476 : memref<32x128xf32, #tpu.memory_space<vmem>>)
      %dma_wait3A_480 = arith.constant 0 : i32
      %dma_wait3A_481 = arith.constant 0 : i32
      %dma_wait3A_482 = arith.constant 0 : i32
      %dma_wait3A_483 = tpu.memref_slice %arg14[%dma_wait3A_480, %dma_wait3A_481, %dma_wait3A_482] : memref<4x32x128xf32, #tpu.memory_space<vmem>> -> memref<1x32x128xf32, #tpu.memory_space<vmem>>
      %dma_wait3A_484 = tpu.memref_squeeze %dma_wait3A_483 : memref<1x32x128xf32, #tpu.memory_space<vmem>> -> memref<32x128xf32, #tpu.memory_space<vmem>>
      %dma_wait3A_485 = arith.constant 0 : i32
      %dma_wait3A_486 = arith.constant 0 : i32
      %dma_wait3A_487 = tpu.memref_slice %arg5[%dma_wait3A_485, %dma_wait3A_486] : memref<32x1000000xf32, #tpu.memory_space<hbm>> -> memref<32x128xf32, #tpu.memory_space<hbm>>
      %dma_wait3A_488 = arith.constant 0 : i32
      %dma_wait3A_489 = arith.constant 0 : i32
      %dma_wait3A_490 = tpu.memref_slice %arg14[%dma_wait3A_480, %dma_wait3A_488, %dma_wait3A_489] : memref<4x32x128xf32, #tpu.memory_space<vmem>> -> memref<1x32x128xf32, #tpu.memory_space<vmem>>
      %dma_wait3A_491 = tpu.memref_squeeze %dma_wait3A_490 : memref<1x32x128xf32, #tpu.memory_space<vmem>> -> memref<32x128xf32, #tpu.memory_space<vmem>>
      %dma_wait3A_492 = arith.constant 0 : i32
      %dma_wait3A_493 = arith.constant 0 : i32
      %dma_wait3A_494 = tpu.memref_slice %arg5[%dma_wait3A_492, %dma_wait3A_493] : memref<32x1000000xf32, #tpu.memory_space<hbm>> -> memref<32x128xf32, #tpu.memory_space<hbm>>
      tpu.wait_dma2 semaphore(%arg17 : memref<!tpu.dma_semaphore, #tpu.memory_space<semaphore_mem>>) src(%dma_wait3A_494 : memref<32x128xf32, #tpu.memory_space<hbm>>) dst(%dma_wait3A_491 : memref<32x128xf32, #tpu.memory_space<vmem>>)
      %dma_wait3A_495 = arith.constant 1 : i32
      %dma_wait3A_496 = arith.constant 0 : i32
      %dma_wait3A_497 = arith.constant 0 : i32
      %dma_wait3A_498 = tpu.memref_slice %arg13[%dma_wait3A_495, %dma_wait3A_496, %dma_wait3A_497] : memref<4x32x128xf32, #tpu.memory_space<vmem>> -> memref<1x32x128xf32, #tpu.memory_space<vmem>>
      %dma_wait3A_499 = tpu.memref_squeeze %dma_wait3A_498 : memref<1x32x128xf32, #tpu.memory_space<vmem>> -> memref<32x128xf32, #tpu.memory_space<vmem>>
      %dma_wait3A_500 = arith.constant 0 : i32
      %dma_wait3A_501 = arith.constant 0 : i32
      %dma_wait3A_502 = tpu.memref_slice %arg4[%dma_wait3A_500, %dma_wait3A_501] : memref<32x1000000xf32, #tpu.memory_space<hbm>> -> memref<32x128xf32, #tpu.memory_space<hbm>>
      %dma_wait3A_503 = arith.constant 0 : i32
      %dma_wait3A_504 = arith.constant 0 : i32
      %dma_wait3A_505 = tpu.memref_slice %arg13[%dma_wait3A_495, %dma_wait3A_503, %dma_wait3A_504] : memref<4x32x128xf32, #tpu.memory_space<vmem>> -> memref<1x32x128xf32, #tpu.memory_space<vmem>>
      %dma_wait3A_506 = tpu.memref_squeeze %dma_wait3A_505 : memref<1x32x128xf32, #tpu.memory_space<vmem>> -> memref<32x128xf32, #tpu.memory_space<vmem>>
      %dma_wait3A_507 = arith.constant 0 : i32
      %dma_wait3A_508 = arith.constant 0 : i32
      %dma_wait3A_509 = tpu.memref_slice %arg4[%dma_wait3A_507, %dma_wait3A_508] : memref<32x1000000xf32, #tpu.memory_space<hbm>> -> memref<32x128xf32, #tpu.memory_space<hbm>>
      tpu.wait_dma2 semaphore(%arg17 : memref<!tpu.dma_semaphore, #tpu.memory_space<semaphore_mem>>) src(%dma_wait3A_509 : memref<32x128xf32, #tpu.memory_space<hbm>>) dst(%dma_wait3A_506 : memref<32x128xf32, #tpu.memory_space<vmem>>)
      %dma_wait3A_510 = arith.constant 1 : i32
      %dma_wait3A_511 = arith.constant 0 : i32
      %dma_wait3A_512 = arith.constant 0 : i32
      %dma_wait3A_513 = tpu.memref_slice %arg14[%dma_wait3A_510, %dma_wait3A_511, %dma_wait3A_512] : memref<4x32x128xf32, #tpu.memory_space<vmem>> -> memref<1x32x128xf32, #tpu.memory_space<vmem>>
      %dma_wait3A_514 = tpu.memref_squeeze %dma_wait3A_513 : memref<1x32x128xf32, #tpu.memory_space<vmem>> -> memref<32x128xf32, #tpu.memory_space<vmem>>
      %dma_wait3A_515 = arith.constant 0 : i32
      %dma_wait3A_516 = arith.constant 0 : i32
      %dma_wait3A_517 = tpu.memref_slice %arg5[%dma_wait3A_515, %dma_wait3A_516] : memref<32x1000000xf32, #tpu.memory_space<hbm>> -> memref<32x128xf32, #tpu.memory_space<hbm>>
      %dma_wait3A_518 = arith.constant 0 : i32
      %dma_wait3A_519 = arith.constant 0 : i32
      %dma_wait3A_520 = tpu.memref_slice %arg14[%dma_wait3A_510, %dma_wait3A_518, %dma_wait3A_519] : memref<4x32x128xf32, #tpu.memory_space<vmem>> -> memref<1x32x128xf32, #tpu.memory_space<vmem>>
      %dma_wait3A_521 = tpu.memref_squeeze %dma_wait3A_520 : memref<1x32x128xf32, #tpu.memory_space<vmem>> -> memref<32x128xf32, #tpu.memory_space<vmem>>
      %dma_wait3A_522 = arith.constant 0 : i32
      %dma_wait3A_523 = arith.constant 0 : i32
      %dma_wait3A_524 = tpu.memref_slice %arg5[%dma_wait3A_522, %dma_wait3A_523] : memref<32x1000000xf32, #tpu.memory_space<hbm>> -> memref<32x128xf32, #tpu.memory_space<hbm>>
      tpu.wait_dma2 semaphore(%arg17 : memref<!tpu.dma_semaphore, #tpu.memory_space<semaphore_mem>>) src(%dma_wait3A_524 : memref<32x128xf32, #tpu.memory_space<hbm>>) dst(%dma_wait3A_521 : memref<32x128xf32, #tpu.memory_space<vmem>>)
      %dma_wait3A_525 = arith.constant 2 : i32
      %dma_wait3A_526 = arith.constant 0 : i32
      %dma_wait3A_527 = arith.constant 0 : i32
      %dma_wait3A_528 = tpu.memref_slice %arg13[%dma_wait3A_525, %dma_wait3A_526, %dma_wait3A_527] : memref<4x32x128xf32, #tpu.memory_space<vmem>> -> memref<1x32x128xf32, #tpu.memory_space<vmem>>
      %dma_wait3A_529 = tpu.memref_squeeze %dma_wait3A_528 : memref<1x32x128xf32, #tpu.memory_space<vmem>> -> memref<32x128xf32, #tpu.memory_space<vmem>>
      %dma_wait3A_530 = arith.constant 0 : i32
      %dma_wait3A_531 = arith.constant 0 : i32
      %dma_wait3A_532 = tpu.memref_slice %arg4[%dma_wait3A_530, %dma_wait3A_531] : memref<32x1000000xf32, #tpu.memory_space<hbm>> -> memref<32x128xf32, #tpu.memory_space<hbm>>
      %dma_wait3A_533 = arith.constant 0 : i32
      %dma_wait3A_534 = arith.constant 0 : i32
      %dma_wait3A_535 = tpu.memref_slice %arg13[%dma_wait3A_525, %dma_wait3A_533, %dma_wait3A_534] : memref<4x32x128xf32, #tpu.memory_space<vmem>> -> memref<1x32x128xf32, #tpu.memory_space<vmem>>
      %dma_wait3A_536 = tpu.memref_squeeze %dma_wait3A_535 : memref<1x32x128xf32, #tpu.memory_space<vmem>> -> memref<32x128xf32, #tpu.memory_space<vmem>>
      %dma_wait3A_537 = arith.constant 0 : i32
      %dma_wait3A_538 = arith.constant 0 : i32
      %dma_wait3A_539 = tpu.memref_slice %arg4[%dma_wait3A_537, %dma_wait3A_538] : memref<32x1000000xf32, #tpu.memory_space<hbm>> -> memref<32x128xf32, #tpu.memory_space<hbm>>
      tpu.wait_dma2 semaphore(%arg17 : memref<!tpu.dma_semaphore, #tpu.memory_space<semaphore_mem>>) src(%dma_wait3A_539 : memref<32x128xf32, #tpu.memory_space<hbm>>) dst(%dma_wait3A_536 : memref<32x128xf32, #tpu.memory_space<vmem>>)
      %dma_wait3A_540 = arith.constant 2 : i32
      %dma_wait3A_541 = arith.constant 0 : i32
      %dma_wait3A_542 = arith.constant 0 : i32
      %dma_wait3A_543 = tpu.memref_slice %arg14[%dma_wait3A_540, %dma_wait3A_541, %dma_wait3A_542] : memref<4x32x128xf32, #tpu.memory_space<vmem>> -> memref<1x32x128xf32, #tpu.memory_space<vmem>>
      %dma_wait3A_544 = tpu.memref_squeeze %dma_wait3A_543 : memref<1x32x128xf32, #tpu.memory_space<vmem>> -> memref<32x128xf32, #tpu.memory_space<vmem>>
      %dma_wait3A_545 = arith.constant 0 : i32
      %dma_wait3A_546 = arith.constant 0 : i32
      %dma_wait3A_547 = tpu.memref_slice %arg5[%dma_wait3A_545, %dma_wait3A_546] : memref<32x1000000xf32, #tpu.memory_space<hbm>> -> memref<32x128xf32, #tpu.memory_space<hbm>>
      %dma_wait3A_548 = arith.constant 0 : i32
      %dma_wait3A_549 = arith.constant 0 : i32
      %dma_wait3A_550 = tpu.memref_slice %arg14[%dma_wait3A_540, %dma_wait3A_548, %dma_wait3A_549] : memref<4x32x128xf32, #tpu.memory_space<vmem>> -> memref<1x32x128xf32, #tpu.memory_space<vmem>>
      %dma_wait3A_551 = tpu.memref_squeeze %dma_wait3A_550 : memref<1x32x128xf32, #tpu.memory_space<vmem>> -> memref<32x128xf32, #tpu.memory_space<vmem>>
      %dma_wait3A_552 = arith.constant 0 : i32
      %dma_wait3A_553 = arith.constant 0 : i32
      %dma_wait3A_554 = tpu.memref_slice %arg5[%dma_wait3A_552, %dma_wait3A_553] : memref<32x1000000xf32, #tpu.memory_space<hbm>> -> memref<32x128xf32, #tpu.memory_space<hbm>>
      tpu.wait_dma2 semaphore(%arg17 : memref<!tpu.dma_semaphore, #tpu.memory_space<semaphore_mem>>) src(%dma_wait3A_554 : memref<32x128xf32, #tpu.memory_space<hbm>>) dst(%dma_wait3A_551 : memref<32x128xf32, #tpu.memory_space<vmem>>)
      %dma_wait3A_555 = arith.constant 3 : i32
      %dma_wait3A_556 = arith.constant 0 : i32
      %dma_wait3A_557 = arith.constant 0 : i32
      %dma_wait3A_558 = tpu.memref_slice %arg13[%dma_wait3A_555, %dma_wait3A_556, %dma_wait3A_557] : memref<4x32x128xf32, #tpu.memory_space<vmem>> -> memref<1x32x128xf32, #tpu.memory_space<vmem>>
      %dma_wait3A_559 = tpu.memref_squeeze %dma_wait3A_558 : memref<1x32x128xf32, #tpu.memory_space<vmem>> -> memref<32x128xf32, #tpu.memory_space<vmem>>
      %dma_wait3A_560 = arith.constant 0 : i32
      %dma_wait3A_561 = arith.constant 0 : i32
      %dma_wait3A_562 = tpu.memref_slice %arg4[%dma_wait3A_560, %dma_wait3A_561] : memref<32x1000000xf32, #tpu.memory_space<hbm>> -> memref<32x128xf32, #tpu.memory_space<hbm>>
      %dma_wait3A_563 = arith.constant 0 : i32
      %dma_wait3A_564 = arith.constant 0 : i32
      %dma_wait3A_565 = tpu.memref_slice %arg13[%dma_wait3A_555, %dma_wait3A_563, %dma_wait3A_564] : memref<4x32x128xf32, #tpu.memory_space<vmem>> -> memref<1x32x128xf32, #tpu.memory_space<vmem>>
      %dma_wait3A_566 = tpu.memref_squeeze %dma_wait3A_565 : memref<1x32x128xf32, #tpu.memory_space<vmem>> -> memref<32x128xf32, #tpu.memory_space<vmem>>
      %dma_wait3A_567 = arith.constant 0 : i32
      %dma_wait3A_568 = arith.constant 0 : i32
      %dma_wait3A_569 = tpu.memref_slice %arg4[%dma_wait3A_567, %dma_wait3A_568] : memref<32x1000000xf32, #tpu.memory_space<hbm>> -> memref<32x128xf32, #tpu.memory_space<hbm>>
      tpu.wait_dma2 semaphore(%arg17 : memref<!tpu.dma_semaphore, #tpu.memory_space<semaphore_mem>>) src(%dma_wait3A_569 : memref<32x128xf32, #tpu.memory_space<hbm>>) dst(%dma_wait3A_566 : memref<32x128xf32, #tpu.memory_space<vmem>>)
      %dma_wait3A_570 = arith.constant 3 : i32
      %dma_wait3A_571 = arith.constant 0 : i32
      %dma_wait3A_572 = arith.constant 0 : i32
      %dma_wait3A_573 = tpu.memref_slice %arg14[%dma_wait3A_570, %dma_wait3A_571, %dma_wait3A_572] : memref<4x32x128xf32, #tpu.memory_space<vmem>> -> memref<1x32x128xf32, #tpu.memory_space<vmem>>
      %dma_wait3A_574 = tpu.memref_squeeze %dma_wait3A_573 : memref<1x32x128xf32, #tpu.memory_space<vmem>> -> memref<32x128xf32, #tpu.memory_space<vmem>>
      %dma_wait3A_575 = arith.constant 0 : i32
      %dma_wait3A_576 = arith.constant 0 : i32
      %dma_wait3A_577 = tpu.memref_slice %arg5[%dma_wait3A_575, %dma_wait3A_576] : memref<32x1000000xf32, #tpu.memory_space<hbm>> -> memref<32x128xf32, #tpu.memory_space<hbm>>
      %dma_wait3A_578 = arith.constant 0 : i32
      %dma_wait3A_579 = arith.constant 0 : i32
      %dma_wait3A_580 = tpu.memref_slice %arg14[%dma_wait3A_570, %dma_wait3A_578, %dma_wait3A_579] : memref<4x32x128xf32, #tpu.memory_space<vmem>> -> memref<1x32x128xf32, #tpu.memory_space<vmem>>
      %dma_wait3A_581 = tpu.memref_squeeze %dma_wait3A_580 : memref<1x32x128xf32, #tpu.memory_space<vmem>> -> memref<32x128xf32, #tpu.memory_space<vmem>>
      %dma_wait3A_582 = arith.constant 0 : i32
      %dma_wait3A_583 = arith.constant 0 : i32
      %dma_wait3A_584 = tpu.memref_slice %arg5[%dma_wait3A_582, %dma_wait3A_583] : memref<32x1000000xf32, #tpu.memory_space<hbm>> -> memref<32x128xf32, #tpu.memory_space<hbm>>
      tpu.wait_dma2 semaphore(%arg17 : memref<!tpu.dma_semaphore, #tpu.memory_space<semaphore_mem>>) src(%dma_wait3A_584 : memref<32x128xf32, #tpu.memory_space<hbm>>) dst(%dma_wait3A_581 : memref<32x128xf32, #tpu.memory_space<vmem>>)
      %shift_right_arithmetic3A_585 = arith.constant 2 : i32
      %shift_right_arithmetic3A_586 = arith.shrsi %add3A_464, %shift_right_arithmetic3A_585 : i32
      %mul3A_587 = arith.constant 16 : i32
      %mul3A_588 = arith.muli %shift_right_arithmetic3A_586, %mul3A_587 : i32
      %get3A_589 = arith.index_cast %mul3A_588 : i32 to index
      %get3A_590 = tpu.vector_load %arg9[%get3A_589] {strides = array<i32>} : memref<512xi32, #tpu.memory_space<vmem>>, vector<16xi32>,
      %and3A_591 = arith.constant 3 : i32
      %and3A_592 = arith.andi %add3A_464, %and3A_591 : i32
      %mul3A_593 = arith.constant 4 : i32
      %mul3A_594 = arith.muli %and3A_592, %mul3A_593 : i32
      %add3A_595 = vector.broadcast %mul3A_594 : i32 to vector<16xi32>
      %add3A_596 = arith.addi %add3A_595, %and3A_9 : vector<16xi32>
      %lt3A_597 = arith.constant 0 : i32
      %lt3A_598 = vector.broadcast %lt3A_597 : i32 to vector<16xi32>
      %lt3A_599 = arith.cmpi slt, %add3A_596, %lt3A_598 : vector<16xi32>
      %add3A_600 = arith.constant 16 : i32
      %add3A_601 = vector.broadcast %add3A_600 : i32 to vector<16xi32>
      %add3A_602 = arith.addi %add3A_596, %add3A_601 : vector<16xi32>
      %select_n3A_603 = arith.select %lt3A_599, %add3A_602, %add3A_596 : vector<16xi1>, vector<16xi32>
      %broadcast_in_dim3A_604 = vector.shape_cast %select_n3A_603 : vector<16xi32> to vector<16x1xi32>
      %gather3A_605 = vector.shape_cast %broadcast_in_dim3A_604 : vector<16x1xi32> to vector<16xi32>
      %gather3A_606 = tpu.dynamic_gather %get3A_590[%gather3A_605] in [0] : vector<16xi32>, vector<16xi32> -> vector<16xi32>
      %and3A_607 = arith.constant 127 : i32
      %and3A_608 = vector.broadcast %and3A_607 : i32 to vector<16xi32>
      %and3A_609 = arith.andi %gather3A_606, %and3A_608 : vector<16xi32>
      %shift_right_arithmetic3A_610 = arith.constant 2 : i32
      %shift_right_arithmetic3A_611 = arith.shrsi %add3A_464, %shift_right_arithmetic3A_610 : i32
      %mul3A_612 = arith.constant 16 : i32
      %mul3A_613 = arith.muli %shift_right_arithmetic3A_611, %mul3A_612 : i32
      %get3A_614 = arith.index_cast %mul3A_613 : i32 to index
      %get3A_615 = tpu.vector_load %arg10[%get3A_614] {strides = array<i32>} : memref<512xi32, #tpu.memory_space<vmem>>, vector<16xi32>,
      %and3A_616 = arith.constant 3 : i32
      %and3A_617 = arith.andi %add3A_464, %and3A_616 : i32
      %mul3A_618 = arith.constant 4 : i32
      %mul3A_619 = arith.muli %and3A_617, %mul3A_618 : i32
      %add3A_620 = vector.broadcast %mul3A_619 : i32 to vector<16xi32>
      %add3A_621 = arith.addi %add3A_620, %and3A_9 : vector<16xi32>
      %lt3A_622 = arith.constant 0 : i32
      %lt3A_623 = vector.broadcast %lt3A_622 : i32 to vector<16xi32>
      %lt3A_624 = arith.cmpi slt, %add3A_621, %lt3A_623 : vector<16xi32>
      %add3A_625 = arith.constant 16 : i32
      %add3A_626 = vector.broadcast %add3A_625 : i32 to vector<16xi32>
      %add3A_627 = arith.addi %add3A_621, %add3A_626 : vector<16xi32>
      %select_n3A_628 = arith.select %lt3A_624, %add3A_627, %add3A_621 : vector<16xi1>, vector<16xi32>
      %broadcast_in_dim3A_629 = vector.shape_cast %select_n3A_628 : vector<16xi32> to vector<16x1xi32>
      %gather3A_630 = vector.shape_cast %broadcast_in_dim3A_629 : vector<16x1xi32> to vector<16xi32>
      %gather3A_631 = tpu.dynamic_gather %get3A_615[%gather3A_630] in [0] : vector<16xi32>, vector<16xi32> -> vector<16xi32>
      %and3A_632 = arith.constant 127 : i32
      %and3A_633 = vector.broadcast %and3A_632 : i32 to vector<16xi32>
      %and3A_634 = arith.andi %gather3A_631, %and3A_633 : vector<16xi32>
      %broadcast_in_dim3A_635 = arith.constant 0.000000e+00 : f32
      %broadcast_in_dim3A_636 = vector.broadcast %broadcast_in_dim3A_635 : f32 to vector<16xf32>
      %add3A_637 = arith.constant 0 : i32
      %add3A_638 = vector.broadcast %add3A_637 : i32 to vector<16xi32>
      %add3A_639 = arith.addi %mul3A_14, %add3A_638 : vector<16xi32>
      %gather3A_640 = tpu.vector_load_idx %arg13[%and3A_9, %add3A_639, %and3A_609] : memref<4x32x128xf32, #tpu.memory_space<vmem>>[vector<16xi32>, vector<16xi32>, vector<16xi32>], vector<16xf32>,
      %gather3A_641 = tpu.vector_load_idx %arg14[%and3A_9, %add3A_639, %and3A_634] : memref<4x32x128xf32, #tpu.memory_space<vmem>>[vector<16xi32>, vector<16xi32>, vector<16xi32>], vector<16xf32>,
      %mul3A_642 = arith.mulf %gather3A_640, %gather3A_641 : vector<16xf32>
      %add3A_643 = arith.addf %broadcast_in_dim3A_636, %mul3A_642 : vector<16xf32>
      %add3A_644 = arith.constant 1 : i32
      %add3A_645 = vector.broadcast %add3A_644 : i32 to vector<16xi32>
      %add3A_646 = arith.addi %mul3A_14, %add3A_645 : vector<16xi32>
      %gather3A_647 = tpu.vector_load_idx %arg13[%and3A_9, %add3A_646, %and3A_609] : memref<4x32x128xf32, #tpu.memory_space<vmem>>[vector<16xi32>, vector<16xi32>, vector<16xi32>], vector<16xf32>,
      %gather3A_648 = tpu.vector_load_idx %arg14[%and3A_9, %add3A_646, %and3A_634] : memref<4x32x128xf32, #tpu.memory_space<vmem>>[vector<16xi32>, vector<16xi32>, vector<16xi32>], vector<16xf32>,
      %mul3A_649 = arith.mulf %gather3A_647, %gather3A_648 : vector<16xf32>
      %add3A_650 = arith.addf %add3A_643, %mul3A_649 : vector<16xf32>
      %add3A_651 = arith.constant 2 : i32
      %add3A_652 = vector.broadcast %add3A_651 : i32 to vector<16xi32>
      %add3A_653 = arith.addi %mul3A_14, %add3A_652 : vector<16xi32>
      %gather3A_654 = tpu.vector_load_idx %arg13[%and3A_9, %add3A_653, %and3A_609] : memref<4x32x128xf32, #tpu.memory_space<vmem>>[vector<16xi32>, vector<16xi32>, vector<16xi32>], vector<16xf32>,
      %gather3A_655 = tpu.vector_load_idx %arg14[%and3A_9, %add3A_653, %and3A_634] : memref<4x32x128xf32, #tpu.memory_space<vmem>>[vector<16xi32>, vector<16xi32>, vector<16xi32>], vector<16xf32>,
      %mul3A_656 = arith.mulf %gather3A_654, %gather3A_655 : vector<16xf32>
      %add3A_657 = arith.addf %add3A_650, %mul3A_656 : vector<16xf32>
      %add3A_658 = arith.constant 3 : i32
      %add3A_659 = vector.broadcast %add3A_658 : i32 to vector<16xi32>
      %add3A_660 = arith.addi %mul3A_14, %add3A_659 : vector<16xi32>
      %gather3A_661 = tpu.vector_load_idx %arg13[%and3A_9, %add3A_660, %and3A_609] : memref<4x32x128xf32, #tpu.memory_space<vmem>>[vector<16xi32>, vector<16xi32>, vector<16xi32>], vector<16xf32>,
      %gather3A_662 = tpu.vector_load_idx %arg14[%and3A_9, %add3A_660, %and3A_634] : memref<4x32x128xf32, #tpu.memory_space<vmem>>[vector<16xi32>, vector<16xi32>, vector<16xi32>], vector<16xf32>,
      %mul3A_663 = arith.mulf %gather3A_661, %gather3A_662 : vector<16xf32>
      %add3A_664 = arith.addf %add3A_657, %mul3A_663 : vector<16xf32>
      %add3A_665 = arith.constant 4 : i32
      %add3A_666 = vector.broadcast %add3A_665 : i32 to vector<16xi32>
      %add3A_667 = arith.addi %mul3A_14, %add3A_666 : vector<16xi32>
      %gather3A_668 = tpu.vector_load_idx %arg13[%and3A_9, %add3A_667, %and3A_609] : memref<4x32x128xf32, #tpu.memory_space<vmem>>[vector<16xi32>, vector<16xi32>, vector<16xi32>], vector<16xf32>,
      %gather3A_669 = tpu.vector_load_idx %arg14[%and3A_9, %add3A_667, %and3A_634] : memref<4x32x128xf32, #tpu.memory_space<vmem>>[vector<16xi32>, vector<16xi32>, vector<16xi32>], vector<16xf32>,
      %mul3A_670 = arith.mulf %gather3A_668, %gather3A_669 : vector<16xf32>
      %add3A_671 = arith.addf %add3A_664, %mul3A_670 : vector<16xf32>
      %add3A_672 = arith.constant 5 : i32
      %add3A_673 = vector.broadcast %add3A_672 : i32 to vector<16xi32>
      %add3A_674 = arith.addi %mul3A_14, %add3A_673 : vector<16xi32>
      %gather3A_675 = tpu.vector_load_idx %arg13[%and3A_9, %add3A_674, %and3A_609] : memref<4x32x128xf32, #tpu.memory_space<vmem>>[vector<16xi32>, vector<16xi32>, vector<16xi32>], vector<16xf32>,
      %gather3A_676 = tpu.vector_load_idx %arg14[%and3A_9, %add3A_674, %and3A_634] : memref<4x32x128xf32, #tpu.memory_space<vmem>>[vector<16xi32>, vector<16xi32>, vector<16xi32>], vector<16xf32>,
      %mul3A_677 = arith.mulf %gather3A_675, %gather3A_676 : vector<16xf32>
      %add3A_678 = arith.addf %add3A_671, %mul3A_677 : vector<16xf32>
      %add3A_679 = arith.constant 6 : i32
      %add3A_680 = vector.broadcast %add3A_679 : i32 to vector<16xi32>
      %add3A_681 = arith.addi %mul3A_14, %add3A_680 : vector<16xi32>
      %gather3A_682 = tpu.vector_load_idx %arg13[%and3A_9, %add3A_681, %and3A_609] : memref<4x32x128xf32, #tpu.memory_space<vmem>>[vector<16xi32>, vector<16xi32>, vector<16xi32>], vector<16xf32>,
      %gather3A_683 = tpu.vector_load_idx %arg14[%and3A_9, %add3A_681, %and3A_634] : memref<4x32x128xf32, #tpu.memory_space<vmem>>[vector<16xi32>, vector<16xi32>, vector<16xi32>], vector<16xf32>,
      %mul3A_684 = arith.mulf %gather3A_682, %gather3A_683 : vector<16xf32>
      %add3A_685 = arith.addf %add3A_678, %mul3A_684 : vector<16xf32>
      %add3A_686 = arith.constant 7 : i32
      %add3A_687 = vector.broadcast %add3A_686 : i32 to vector<16xi32>
      %add3A_688 = arith.addi %mul3A_14, %add3A_687 : vector<16xi32>
      %gather3A_689 = tpu.vector_load_idx %arg13[%and3A_9, %add3A_688, %and3A_609] : memref<4x32x128xf32, #tpu.memory_space<vmem>>[vector<16xi32>, vector<16xi32>, vector<16xi32>], vector<16xf32>,
      %gather3A_690 = tpu.vector_load_idx %arg14[%and3A_9, %add3A_688, %and3A_634] : memref<4x32x128xf32, #tpu.memory_space<vmem>>[vector<16xi32>, vector<16xi32>, vector<16xi32>], vector<16xf32>,
      %mul3A_691 = arith.mulf %gather3A_689, %gather3A_690 : vector<16xf32>
      %add3A_692 = arith.addf %add3A_685, %mul3A_691 : vector<16xf32>
      %lt3A_693 = arith.constant 0 : i32
      %lt3A_694 = vector.broadcast %lt3A_693 : i32 to vector<16xi32>
      %lt3A_695 = arith.cmpi slt, %select_n3A, %lt3A_694 : vector<16xi32>
      %add3A_696 = arith.constant 16 : i32
      %add3A_697 = vector.broadcast %add3A_696 : i32 to vector<16xi32>
      %add3A_698 = arith.addi %select_n3A, %add3A_697 : vector<16xi32>
      %select_n3A_699 = arith.select %lt3A_695, %add3A_698, %select_n3A : vector<16xi1>, vector<16xi32>
      %broadcast_in_dim3A_700 = vector.shape_cast %select_n3A_699 : vector<16xi32> to vector<16x1xi32>
      %gather3A_701 = vector.shape_cast %broadcast_in_dim3A_700 : vector<16x1xi32> to vector<16xi32>
      %gather3A_702 = tpu.dynamic_gather %add3A_692[%gather3A_701] in [0] : vector<16xf32>, vector<16xi32> -> vector<16xf32>
      %add3A_703 = arith.addf %add3A_692, %gather3A_702 : vector<16xf32>
      %lt3A_704 = arith.constant 0 : i32
      %lt3A_705 = vector.broadcast %lt3A_704 : i32 to vector<16xi32>
      %lt3A_706 = arith.cmpi slt, %select_n3A_26, %lt3A_705 : vector<16xi32>
      %add3A_707 = arith.constant 16 : i32
      %add3A_708 = vector.broadcast %add3A_707 : i32 to vector<16xi32>
      %add3A_709 = arith.addi %select_n3A_26, %add3A_708 : vector<16xi32>
      %select_n3A_710 = arith.select %lt3A_706, %add3A_709, %select_n3A_26 : vector<16xi1>, vector<16xi32>
      %broadcast_in_dim3A_711 = vector.shape_cast %select_n3A_710 : vector<16xi32> to vector<16x1xi32>
      %gather3A_712 = vector.shape_cast %broadcast_in_dim3A_711 : vector<16x1xi32> to vector<16xi32>
      %gather3A_713 = tpu.dynamic_gather %add3A_703[%gather3A_712] in [0] : vector<16xf32>, vector<16xi32> -> vector<16xf32>
      %add3A_714 = arith.addf %add3A_703, %gather3A_713 : vector<16xf32>
      %and3A_715 = arith.constant 3 : i32
      %and3A_716 = vector.broadcast %and3A_715 : i32 to vector<16xi32>
      %and3A_717 = arith.andi %iota3A, %and3A_716 : vector<16xi32>
      %lt3A_718 = arith.constant 0 : i32
      %lt3A_719 = vector.broadcast %lt3A_718 : i32 to vector<16xi32>
      %lt3A_720 = arith.cmpi slt, %and3A_717, %lt3A_719 : vector<16xi32>
      %add3A_721 = arith.constant 16 : i32
      %add3A_722 = vector.broadcast %add3A_721 : i32 to vector<16xi32>
      %add3A_723 = arith.addi %and3A_717, %add3A_722 : vector<16xi32>
      %select_n3A_724 = arith.select %lt3A_720, %add3A_723, %and3A_717 : vector<16xi1>, vector<16xi32>
      %broadcast_in_dim3A_725 = vector.shape_cast %select_n3A_724 : vector<16xi32> to vector<16x1xi32>
      %gather3A_726 = vector.shape_cast %broadcast_in_dim3A_725 : vector<16x1xi32> to vector<16xi32>
      %gather3A_727 = tpu.dynamic_gather %add3A_455[%gather3A_726] in [0] : vector<16xf32>, vector<16xi32> -> vector<16xf32>
      %and3A_728 = arith.constant 3 : i32
      %and3A_729 = vector.broadcast %and3A_728 : i32 to vector<16xi32>
      %and3A_730 = arith.andi %iota3A, %and3A_729 : vector<16xi32>
      %lt3A_731 = arith.constant 0 : i32
      %lt3A_732 = vector.broadcast %lt3A_731 : i32 to vector<16xi32>
      %lt3A_733 = arith.cmpi slt, %and3A_730, %lt3A_732 : vector<16xi32>
      %add3A_734 = arith.constant 16 : i32
      %add3A_735 = vector.broadcast %add3A_734 : i32 to vector<16xi32>
      %add3A_736 = arith.addi %and3A_730, %add3A_735 : vector<16xi32>
      %select_n3A_737 = arith.select %lt3A_733, %add3A_736, %and3A_730 : vector<16xi1>, vector<16xi32>
      %broadcast_in_dim3A_738 = vector.shape_cast %select_n3A_737 : vector<16xi32> to vector<16x1xi32>
      %gather3A_739 = vector.shape_cast %broadcast_in_dim3A_738 : vector<16x1xi32> to vector<16xi32>
      %gather3A_740 = tpu.dynamic_gather %add3A_714[%gather3A_739] in [0] : vector<16xf32>, vector<16xi32> -> vector<16xf32>
      %shift_right_arithmetic3A_741 = arith.constant 2 : i32
      %shift_right_arithmetic3A_742 = vector.broadcast %shift_right_arithmetic3A_741 : i32 to vector<16xi32>
      %shift_right_arithmetic3A_743 = arith.shrsi %iota3A, %shift_right_arithmetic3A_742 : vector<16xi32>
      %and3A_744 = arith.constant 3 : i32
      %and3A_745 = arith.andi %mul3A_202, %and3A_744 : i32
      %eq3A = vector.broadcast %and3A_745 : i32 to vector<16xi32>
      %eq3A_746 = arith.cmpi eq, %shift_right_arithmetic3A_743, %eq3A : vector<16xi32>
      %select_n3A_747 = arith.select %eq3A_746, %gather3A_727, %scan3A_200 : vector<16xi1>, vector<16xf32>
      %add3A_748 = arith.constant 1 : i32
      %add3A_749 = arith.addi %mul3A_202, %add3A_748 : i32
      %and3A_750 = arith.constant 3 : i32
      %and3A_751 = arith.andi %add3A_749, %and3A_750 : i32
      %eq3A_752 = vector.broadcast %and3A_751 : i32 to vector<16xi32>
      %eq3A_753 = arith.cmpi eq, %shift_right_arithmetic3A_743, %eq3A_752 : vector<16xi32>
      %select_n3A_754 = arith.select %eq3A_753, %gather3A_740, %select_n3A_747 : vector<16xi1>, vector<16xf32>
      %shift_right_arithmetic3A_755 = arith.constant 1 : i32
      %shift_right_arithmetic3A_756 = arith.shrsi %scan3A_199, %shift_right_arithmetic3A_755 : i32
      %mul3A_757 = arith.constant 16 : i32
      %mul3A_758 = arith.muli %shift_right_arithmetic3A_756, %mul3A_757 : i32
      %swap3A = arith.index_cast %mul3A_758 : i32 to index
      %swap3A_759 = tpu.vector_load %arg15[%swap3A] {strides = array<i32>} : memref<512xf32, #tpu.memory_space<vmem>>, vector<16xf32>,
      tpu.vector_store %arg15[%swap3A], %select_n3A_754 {strides = array<i32>} : memref<512xf32, #tpu.memory_space<vmem>>, vector<16xf32>,
      scf.yield %select_n3A_754 : vector<16xf32>
    }
    %scan3A_198 = arith.constant 64 : i32
    "tpu.region"() ({
      %run_scoped3A = tpu.sem_alloc : memref<!tpu.dma_semaphore, #tpu.memory_space<semaphore_mem>>
      %dma_start3A_199 = tpu.memref_slice %arg6[%mul3A_2] : memref<16384xf32, #tpu.memory_space<hbm>> -> memref<512xf32, #tpu.memory_space<hbm>>
      %dma_start3A_200 = tpu.memref_slice %arg6[%mul3A_2] : memref<16384xf32, #tpu.memory_space<hbm>> -> memref<512xf32, #tpu.memory_space<hbm>>
      tpu.enqueue_dma source(%arg15 : memref<512xf32, #tpu.memory_space<vmem>>) target(%dma_start3A_200 : memref<512xf32, #tpu.memory_space<hbm>>) target_semaphore(%run_scoped3A : memref<!tpu.dma_semaphore, #tpu.memory_space<semaphore_mem>>)
      %dma_wait3A = tpu.memref_slice %arg6[%mul3A_2] : memref<16384xf32, #tpu.memory_space<hbm>> -> memref<512xf32, #tpu.memory_space<hbm>>
      %dma_wait3A_201 = tpu.memref_slice %arg6[%mul3A_2] : memref<16384xf32, #tpu.memory_space<hbm>> -> memref<512xf32, #tpu.memory_space<hbm>>
      tpu.wait_dma2 semaphore(%run_scoped3A : memref<!tpu.dma_semaphore, #tpu.memory_space<semaphore_mem>>) src(%arg15 : memref<512xf32, #tpu.memory_space<vmem>>) dst(%dma_wait3A_201 : memref<512xf32, #tpu.memory_space<hbm>>)
      tpu.yield
    }) : () -> ()
    return
  }
}

</mosaic_0001>

<sc_bundles>
// kernel: kernel.3.cloned.1.call-start
scs
__scs_entry_jumppad:
0x0: {  	(pc) =	sbr.rel $0x88, $3  }
0x1: {  	(tag) =	ssettag $0x0;
	lr =	simm.s32 $0x1  }
0x2: {  	[smem:$0x3F9D] =	sst lr;
	_ =	strace $0xD0000000  }
0x3: {  	_ = 	snop  }
0x4: {  	_ = 	snop  }
0x5: {  	_ = 	snop  }
0x6: {  	_ = 	snop  }
0x7: {  	_ = 	snop  }
__scs_overlays_trampoline_lowered:
0x8: {  	[smem:$0x3FAC] =	sst s0  }
0x9: {  	[smem:$0x3FAD] =	sst s1  }
0xa: {  	[smem:$0x3FAE] =	sst s2  }
0xb: {  	[smem:$0x3FAF] =	sst s3  }
0xc: {  	[smem:$0x3FB0] =	sst s4  }
0xd: {  	[smem:$0x3FB1] =	sst s5  }
0xe: {  	[smem:$0x3FB2] =	sst s6  }
0xf: {  	[smem:$0x3FB3] =	sst s7  }
0x10: {  	[smem:$0x3FB4] =	sst s8  }
0x11: {  	[smem:$0x3FB5] =	sst s9;
	s0 =	simm.s32 @!p0 $0x0  }
0x12: {  	s1 =	sld [smem:$0x3F9B];
	s0 =	simm.s32 @p0 $0x1  }
0x13: {  	[smem:$0x3FB6] =	sst s0;
	s0 =	simm.s32 @!p1 $0x0  }
0x14: {  	s2 =	sld [smem:$0x3F9A];
	s0 =	simm.s32 @p1 $0x1  }
0x15: {  	[smem:$0x3FB7] =	sst s0;
	s0 =	simm.s32 @!p2 $0x0  }
0x16: {  	s3 =	sld [smem:$0x3FDB];
	s0 =	simm.s32 @p2 $0x1  }
0x17: {  	s4 =	simm.s32 $0x1BF5;
	[smem:$0x3FB9] =	sst s0  }
0x18: {  	s0 =	sld [smem:$0x3F9C];
	_ =	swait.ge [sflag:s4], $0x0  }
0x19: {  	s7 =	sld [smem:$0x3F9D]  }
0x1a: {  	s8 =	sadd.s32 $0xFFFFE003, lr  }
0x1b: {  	s9 =	sadd.s32 $0xFFFFFEF7, lr;
	s5 =	simm.s32 $0xFFFFFFFF;
	p2 =	slt.u32 s8, $0xFFFFF086  }
0x1c: {  	p1 =	slt.u32 s9, $0xF7A;
	s5 =	simm.s32 @!p2 $0x0  }
0x1d: {  	s5 =	simm.s32 @p1 $0x1;
	p0 =	seq.s32 s7, s2  }
0x1e: {  	s7 =	smul.u32 @!p0 $0xF7A, s2;
	p2 =	seq.s32 @!p0 s5, $0x0  }
0x1f: {  	s9 =	smul.u32 $0xF7A, s1;
	s8 =	simm.s32 @!p0 $0x1BF5;
	p2 =	por !p2, p0  }
0x20: {  	[sflag:s8] =	ssyncset.s32 @!p0 $0xFFFFF086;
	s6 =	sadd.s32 @!p0 s3, s7;
	s7 =	simm.s32 @!p0 $0x108  }
0x21: {  	s3 =	sadd.s32 s3, s9;
	s6 =	sadd.s32 @!p0 $0x88, s6;
	s7 =	simm.s32 @p2 $0x1082  }
0x22: {  	[simem:s7], [sflag:s8] =	dma.local @!p0 [hbm:s6], $0xF7A  }
0x23: {  	s9 =	sor.u32 $0xD0000000, s2;
	s6 =	simm.s32 $0x108;
	_ =	swait.ge @!p0 [sflag:s8], $0x0  }
0x24: {  	s3 =	sadd.s32 $0x88, s3;
	s6 =	simm.s32 @!p1 $0x1082;
	[sflag:s4] =	ssyncset.s32 $0xFFFFF086  }
0x25: {  	[simem:s6], [sflag:s4] =	dma.local [hbm:s3], $0xF7A  }
0x26: {  	[smem:$0x3F9D] =	sst s1;
	(tag) =	ssettag s2;
	_ =	strace s9  }
0x27: {  	s1 =	sld [smem:$0x3FAD]  }
0x28: {  	s2 =	sld [smem:$0x3FAE]  }
0x29: {  	s4 =	sld [smem:$0x3FB0]  }
0x2a: {  	p0 =	seq.s32 s5, $0x0;
	s5 =	sld [smem:$0x3FB1]  }
0x2b: {  	s6 =	sld [smem:$0x3FB2]  }
0x2c: {  	s7 =	sld [smem:$0x3FB3]  }
0x2d: {  	s3 =	simm.s32 $0x108;
	s8 =	sld [smem:$0x3FB4]  }
0x2e: {  	s3 =	simm.s32 @!p0 $0x1082;
	s9 =	sld [smem:$0x3FB5]  }
0x2f: {  	lr =	sadd.s32 s0, s3;
	s0 =	sld [smem:$0x3FAC]  }
0x30: {  	s3 =	sld [smem:$0x3FAF]  }
0x31: {  	[smem:$0x3FB8] =	sst s10  }
0x32: {  	s10 =	sld [smem:$0x3FB6];
	_ =	sdelay $0x3  }
0x33: {  	p0 =	seq.s32 s10, $0x1;
	s10 =	sld [smem:$0x3FB8];
	_ =	sdelay $0x3  }
0x34: {  	[smem:$0x3FB8] =	sst s10  }
0x35: {  	s10 =	sld [smem:$0x3FB7];
	_ =	sdelay $0x3  }
0x36: {  	p1 =	seq.s32 s10, $0x1;
	s10 =	sld [smem:$0x3FB8];
	_ =	sdelay $0x3  }
0x37: {  	[smem:$0x3FB8] =	sst s10  }
0x38: {  	s10 =	sld [smem:$0x3FB9]  }
0x39: {  	_ = 	snop;
	(pc) =	sbr.ind lr, $3  }
0x3a: {  	_ = 	snop  }
0x3b: {  	_ = 	snop  }
0x3c: {  	p2 =	seq.s32 s10, $0x1;
	s10 =	sld [smem:$0x3FB8]  }
0x3d: {  	_ =	shalt  }
0x3e: {  	_ =	shalt  }
0x3f: {  	_ =	shalt  }
0x40: {  	_ =	shalt  }
0x41: {  	_ =	shalt  }
0x42: {  	_ =	shalt  }
0x43: {  	_ =	shalt  }
0x44: {  	_ =	shalt  }
0x45: {  	_ =	shalt  }
0x46: {  	_ =	shalt  }
0x47: {  	_ =	shalt  }
0x48: {  	_ =	shalt  }
0x49: {  	_ =	shalt  }
0x4a: {  	_ =	shalt  }
0x4b: {  	_ =	shalt  }
0x4c: {  	_ =	shalt  }
0x4d: {  	_ =	shalt  }
0x4e: {  	_ =	shalt  }
0x4f: {  	_ =	shalt  }
0x50: {  	_ =	shalt  }
0x51: {  	_ =	shalt  }
0x52: {  	_ =	shalt  }
0x53: {  	_ =	shalt  }
0x54: {  	_ =	shalt  }
0x55: {  	_ =	shalt  }
0x56: {  	_ =	shalt  }
0x57: {  	_ =	shalt  }
0x58: {  	_ =	shalt  }
0x59: {  	_ =	shalt  }
0x5a: {  	_ =	shalt  }
0x5b: {  	_ =	shalt  }
0x5c: {  	_ =	shalt  }
0x5d: {  	_ =	shalt  }
0x5e: {  	_ =	shalt  }
0x5f: {  	_ =	shalt  }
0x60: {  	_ =	shalt  }
0x61: {  	_ =	shalt  }
0x62: {  	_ =	shalt  }
0x63: {  	_ =	shalt  }
0x64: {  	_ =	shalt  }
0x65: {  	_ =	shalt  }
0x66: {  	_ =	shalt  }
0x67: {  	_ =	shalt  }
0x68: {  	_ =	shalt  }
0x69: {  	_ =	shalt  }
0x6a: {  	_ =	shalt  }
0x6b: {  	_ =	shalt  }
0x6c: {  	_ =	shalt  }
0x6d: {  	_ =	shalt  }
0x6e: {  	_ =	shalt  }
0x6f: {  	_ =	shalt  }
0x70: {  	_ =	shalt  }
0x71: {  	_ =	shalt  }
0x72: {  	_ =	shalt  }
0x73: {  	_ =	shalt  }
0x74: {  	_ =	shalt  }
0x75: {  	_ =	shalt  }
0x76: {  	_ =	shalt  }
0x77: {  	_ =	shalt  }
0x78: {  	_ =	shalt  }
0x79: {  	_ =	shalt  }
0x7a: {  	_ =	shalt  }
0x7b: {  	_ =	shalt  }
0x7c: {  	_ =	shalt  }
0x7d: {  	_ =	shalt  }
0x7e: {  	_ =	shalt  }
0x7f: {  	_ =	shalt  }
0x80: {  	_ =	shalt  }
0x81: {  	_ =	shalt  }
0x82: {  	_ =	shalt  }
0x83: {  	_ =	shalt  }
0x84: {  	_ =	shalt  }
0x85: {  	_ =	shalt  }
0x86: {  	_ =	shalt  }
0x87: {  	_ =	shalt  }
.Lfunc_end0:
.L_simem_size_0:
called_computation_lowered:
.L_overlay_start_0:
0x88: {  	s2 =	sld [smem:$0x3FD9]  }
0x89: {  	s3 =	sld [smem:$0x3FFE];
	_ =	sdelay $0x1  }
0x8a: {  	s1 =	srdreg.scid  }
0x8b: {  	s0 =	sand.u32 $0x1, s1  }
0x8c: {  	s18 =	sshll.u32 s0, $0xA;
	s2 =	sadd.s32 s3, s2  }
0x8d: {  	s2 =	sadd.s32 s2, s18  }
0x8e: {  	[smem:$0x3FC4] =	sst s2  }
0x8f: {  	_ = 	snop  }
0x90: {  	s2 =	sld [smem:$0x3FC9]  }
0x91: {  	s19 =	sld [smem:$0x3FC8]  }
0x92: {  	s4 =	sld [smem:$0x3FC7]  }
0x93: {  	s5 =	sld [smem:$0x3FC6]  }
0x94: {  	s6 =	sld [smem:$0x3FD0];
	(tm) =	ssettm $0x1  }
0x95: {  	s7 =	sld [smem:$0x3FFB];
	_ =	sdelay $0x3  }
0x96: {  	_ =	strace s7  }
0x97: {  	s7 =	sld [smem:$0x3FFC];
	_ =	sdelay $0x3  }
0x98: {  	_ =	strace s7  }
0x99: {  	s7 =	sld [smem:$0x3FFD];
	_ =	sdelay $0x3  }
0x9a: {  	_ =	strace s7  }
0x9b: {  	_ =	strace $0x8FFFFFFF  }
0x9c: {  	s20 =	sld [smem:$0x3FDB];
	_ =	sdelay $0x1  }
0x9d: {  	s8 =	simm.s32 $_scs_section_size  }
0x9e: {  	s9 =	simm.s32 $_size__tile_overlayer_lowered;
	s10 =	simm.s32 $_tile_overlayer_lowered  }
0x9f: {  	s23 =	simm.s32 $0x1BFF;
	s22 =	sshll.u32 s10, $0x1;
	s7 =	sadd.s32 s8, s20  }
0xa0: {  	s11 =	simm.s32 $0x0;
	s21 =	sshll.u32 s9, $0x1;
	s9 =	sadd.s32 s22, s7  }
0xa1: {  	[timem:s11], [sflag:s23] =	dma.local [hbm:s9], s21  }
0xa2: {  	_ =	swait.ge [sflag:s23], s21  }
0xa3: {  	s8 =	ssub.s32 $0x0, s21;
	[sflag:s23] =	ssyncset.done $0x0  }
0xa4: {  	[sflag:s23] =	ssyncadd.s32 s8;
	_ =	sdelay $0x1  }
0xa5: {  	s24 =	simm.s32 $0x1B8B  }
0xa6: {  	_ =	swait.ge [sflag:s24], $0x1  }
0xa7: {  	[sflag:s24] =	ssyncset.done $0x0  }
0xa8: {  	s25 =	simm.s32 $0x1B8E;
	[sflag:s24] =	ssyncadd.s32 $0xFFFFFFFF  }
0xa9: {  	s26 =	simm.s32 $execute0_lowered;
	[smem:$0x3FD2] =	sst s25  }
0xaa: {  	s8 =	sshll.u32 s26, $0x1;
	_ =	strace $0x80000046;
	[dreg:$0x1] =	wrdreg $0xFFFFFFFF  }
0xab: {  	s28 =	simm.s32 $_size_execute0_lowered;
	s7 =	sadd.s32 s7, s8;
	[dreg:$0x0] =	wrdreg $0x0  }
0xac: {  	s8 =	sshll.u32 s28, $0x1;
	[dreg:$0x2] =	wrdreg s7  }
0xad: {  	[dreg:$0x3] =	wrdreg s8  }
0xae: {  	[dreg:$0x4] =	wrdreg $0xC0  }
0xaf: {  	_ =	task [dreg:s11], $0x5FFFF  }
0xb0: {  	[dreg:$0x1] =	wrdreg $0xFFFFFFFF  }
0xb1: {  	[dreg:$0x0] =	wrdreg $0x60  }
0xb2: {  	[dreg:$0x2] =	wrdreg s2  }
0xb3: {  	[dreg:$0x3] =	wrdreg s19  }
0xb4: {  	[dreg:$0x4] =	wrdreg s4  }
0xb5: {  	[dreg:$0x5] =	wrdreg s5  }
0xb6: {  	[dreg:$0x6] =	wrdreg s6  }
0xb7: {  	[dreg:$0x7] =	wrdreg $0x9  }
0xb8: {  	_ =	task.clear_ibuf [dreg:s11], $0x8FFFF;
	_ =	strace $0x90000046  }
0xb9: {  	s29 =	simm.s32 $0x9;
	_ =	strace $0x80000048  }
0xba: {  	_ =	swait.ge [sflag:s29], $0x1  }
0xbb: {  	[sflag:s29] =	ssyncadd.s32 $0xFFFFFFFF  }
0xbc: {  	_ =	strace $0x90000048  }
0xbd: {  	_ =	sfence  }
0xbe: {  	s30 =	sld [smem:$0x0];
	_ =	sdelay $0x2  }
0xbf: {  	s31 =	sshll.u32 s1, $0xD;
	s1 =	sshrl.u32 s1, $0x2  }
0xc0: {  	s3 =	sand.u32 $0x4000, s31;
	s1 =	sadd.s32 s1, s30  }
0xc1: {  	s0 =	sor.u32 s3, s0;
	s1 =	sshll.u32 s1, $0x11  }
0xc2: {  	s0 =	sor.u32 s1, s0  }
0xc3: {  	s0 =	sadd.s32 $0x8F2B, s0  }
0xc4: {  	[sflag:s0] =	ssyncadd.remote.s32 $0x1  }
0xc5: {  	_ =	sfence.sel $0xFFFF  }
0xc6: {  	[dreg:$0x0] =	wrdreg $0xFFFFFFFF;
	(pc) =	sbr.abs _section_cstart, $3  }
0xc7: {  	[dreg:$0x1] =	wrdreg $0xFFFFFFFF  }
0xc8: {  	_ =	task.clear_ibuf [dreg:s11], $0x2FFFF;
	_ =	strace $0x9FFFFFFF  }
0xc9: {  	(tm) =	ssettm $0x7FFFFFFF  }
tec
execute0_lowered:
.L_overlay_start_1:
0x0: {  	(tag) =	ssettag $0x1  }
0x1: {  	v0 =	vimm.s32 $0x3C00  }
0x2: {  	vm14 =	vcmask $0x300;
	vm13 =	vcmask $0x704;
	v11 =	vlaneseq.u32  }
0x3: {  	vm12 =	vcmask $0xB08;
	vm11 =	vcmask $0xF0C;
	v1 =	vimm.s32 $0x3C80  }
0x4: {  	vm10 =	vcmask $0x1310;
	vm9 =	vcmask $0x1714;
	vm8 =	vcmask $0x1B18  }
0x5: {  	vm7 =	vcmask $0x1F1C;
	vm6 =	vcmask $0x2320;
	vm5 =	vcmask $0x2724  }
0x6: {  	vm4 =	vcmask $0x2B28;
	vm3 =	vcmask $0x2F2C;
	vm2 =	vcmask $0x3330  }
0x7: {  	vm0 =	vcmask $0x3734;
	v3 =	vimm.s32 $0x3D00;
	vm1 =	vcmask $0x3B38  }
0x8: {  	v5 =	vimm.s32 $0x3E00;
	v6 =	vimm.s32 $0x3E80;
	v7 =	vimm.s32 $0x3F00  }
0x9: {  	v8 =	vimm.s32 $0x3F80;
	v9 =	vimm.s32 $0xFEDCBA98;
	v10 =	vimm.s32 $0x7060504  }
0xa: {  	v0 =	vsel vm14, $0x0, v0;
	v1 =	vsel vm14, $0x80, v1;
	v3 =	vsel vm14, $0x100, v3  }
0xb: {  	v5 =	vsel vm14, $0x200, v5;
	v6 =	vsel vm14, $0x280, v6;
	v7 =	vsel vm14, $0x300, v7  }
0xc: {  	v8 =	vsel vm14, $0x380, v8;
	v9 =	vunpack.c.l.s4.s8 v9;
	v10 =	vunpack.c.0.s8.s32 v10  }
0xd: {  	v0 =	vsel vm13, $0x1000, v0;
	v1 =	vsel vm13, $0x1080, v1;
	v3 =	vsel vm13, $0x1100, v3  }
0xe: {  	v5 =	vsel vm13, $0x1200, v5;
	v6 =	vsel vm13, $0x1280, v6;
	v7 =	vsel vm13, $0x1300, v7  }
0xf: {  	v8 =	vsel vm13, $0x1380, v8;
	v0 =	vsel vm12, $0x2000, v0;
	v1 =	vsel vm12, $0x2080, v1  }
0x10: {  	v3 =	vsel vm12, $0x2100, v3;
	v5 =	vsel vm12, $0x2200, v5;
	v6 =	vsel vm12, $0x2280, v6  }
0x11: {  	v7 =	vsel vm12, $0x2300, v7;
	v8 =	vsel vm12, $0x2380, v8;
	v9 =	vunpack.c.0.s8.s32 v9  }
0x12: {  	v0 =	vsel vm11, $0x3000, v0;
	v1 =	vsel vm11, $0x3080, v1;
	v3 =	vsel vm11, $0x3100, v3  }
0x13: {  	v5 =	vsel vm11, $0x3200, v5;
	v6 =	vsel vm11, $0x3280, v6;
	v7 =	vsel vm11, $0x3300, v7  }
0x14: {  	v8 =	vsel vm11, $0x3380, v8;
	v0 =	vsel vm10, $0x400, v0;
	v1 =	vsel vm10, $0x480, v1  }
0x15: {  	v3 =	vsel vm10, $0x500, v3;
	v5 =	vsel vm10, $0x600, v5;
	v6 =	vsel vm10, $0x680, v6  }
0x16: {  	v7 =	vsel vm10, $0x700, v7;
	v8 =	vsel vm10, $0x780, v8;
	v12 =	vand.u32 $0xF, v9  }
0x17: {  	v9 =	vor.u32 $0x8, v11;
	v0 =	vsel vm9, $0x1400, v0;
	v1 =	vsel vm9, $0x1480, v1  }
0x18: {  	v3 =	vsel vm9, $0x1500, v3;
	v5 =	vsel vm9, $0x1600, v5;
	v6 =	vsel vm9, $0x1680, v6  }
0x19: {  	v7 =	vsel vm9, $0x1700, v7;
	v8 =	vsel vm9, $0x1780, v8;
	v10 =	vcombine.low v10, v12  }
0x1a: {  	v0 =	vsel vm8, $0x2400, v0;
	v1 =	vsel vm8, $0x2480, v1;
	v3 =	vsel vm8, $0x2500, v3  }
0x1b: {  	v5 =	vsel vm8, $0x2600, v5;
	v6 =	vsel vm8, $0x2680, v6;
	v7 =	vsel vm8, $0x2700, v7  }
0x1c: {  	v8 =	vsel vm8, $0x2780, v8;
	v0 =	vsel vm7, $0x3400, v0;
	v1 =	vsel vm7, $0x3480, v1  }
0x1d: {  	v3 =	vsel vm7, $0x3500, v3;
	v5 =	vsel vm7, $0x3600, v5;
	v6 =	vsel vm7, $0x3680, v6  }
0x1e: {  	v7 =	vsel vm7, $0x3700, v7;
	v8 =	vsel vm7, $0x3780, v8;
	v0 =	vsel vm6, $0x800, v0  }
0x1f: {  	v1 =	vsel vm6, $0x880, v1;
	v3 =	vsel vm6, $0x900, v3;
	v5 =	vsel vm6, $0xA00, v5  }
0x20: {  	v6 =	vsel vm6, $0xA80, v6;
	v7 =	vsel vm6, $0xB00, v7;
	v0 =	vsel vm5, $0x1800, v0  }
0x21: {  	v8 =	vsel vm6, $0xB80, v8;
	v1 =	vsel vm5, $0x1880, v1;
	v0 =	vsel vm4, $0x2800, v0  }
0x22: {  	v3 =	vsel vm5, $0x1900, v3;
	v1 =	vsel vm4, $0x2880, v1;
	v2 =	vsel vm3, $0x3800, v0  }
0x23: {  	v5 =	vsel vm5, $0x1A00, v5;
	v1 =	vsel vm3, $0x3880, v1;
	v2 =	vsel vm2, $0xC00, v2  }
0x24: {  	s2 =	rddreg [dreg:$0x0];
	v6 =	vsel vm5, $0x1A80, v6;
	v4 =	vsel vm2, $0xC80, v1;
	v2 =	vsel vm0, $0x1C00, v2  }
0x25: {  	s4 =	rddreg [dreg:$0x1];
	v1 =	vsel vm1, $0x2C00, v2;
	v2 =	vsel vm0, $0x1C80, v4;
	v4 =	vimm.s32 $0x3D80  }
0x26: {  	s0 =	rddreg [dreg:$0x2];
	v7 =	vsel vm5, $0x1B00, v7;
	v8 =	vsel vm5, $0x1B80, v8;
	v4 =	vsel vm14, $0x180, v4  }
0x27: {  	s1 =	rddreg [dreg:$0x3];
	v3 =	vsel vm4, $0x2900, v3;
	v5 =	vsel vm4, $0x2A00, v5;
	v4 =	vsel vm13, $0x1180, v4  }
0x28: {  	s7 =	rddreg [dreg:$0x4];
	s5 =	srdreg.scid;
	s3 =	simm.s32 $0x0;
	v6 =	vsel vm4, $0x2A80, v6;
	v7 =	vsel vm4, $0x2B00, v7;
	v4 =	vsel vm12, $0x2180, v4  }
0x29: {  	s9 =	stileid.u32;
	s10 =	simm.s32 $0x7A1400;
	s12 =	simm.s32 $0x400;
	v8 =	vsel vm4, $0x2B80, v8;
	v0 =	vand.u32 $0x3, v11;
	v4 =	vsel vm11, $0x3180, v4  }
0x2a: {  	s13 =	simm.s32 $0x4400;
	s25 =	simm.s32 $0x9400;
	s26 =	simm.s32 $0xD400;
	v3 =	vsel vm3, $0x3900, v3;
	v5 =	vsel vm3, $0x3A00, v5;
	v4 =	vsel vm10, $0x580, v4  }
0x2b: {  	s28 =	simm.s32 $0xA400;
	s29 =	simm.s32 $0xE400;
	[smem:$0x7FF] =	sst s3;
	v6 =	vsel vm3, $0x3A80, v6;
	v7 =	vsel vm3, $0x3B00, v7;
	v4 =	vsel vm9, $0x1580, v4  }
0x2c: {  	s30 =	simm.s32 $0xB400;
	_ =	strace $0x80000047;
	[dreg:$0x6] =	wrdreg s25;
	v8 =	vsel vm3, $0x3B80, v8;
	v11 =	vshrl.u32 v11, $0x2;
	v4 =	vsel vm8, $0x2580, v4  }
0x2d: {  	s20 =	simm.s32 $0x8400;
	s31 =	simm.s32 $0xF400;
	[dreg:$0x7] =	wrdreg s26;
	v3 =	vsel vm2, $0xD00, v3;
	v5 =	vsel vm2, $0xE00, v5;
	v4 =	vsel vm7, $0x3580, v4  }
0x2e: {  	s21 =	simm.s32 $0xC400;
	s22 =	simm.s32 $0x1;
	[dreg:$0x8] =	wrdreg s28;
	v6 =	vsel vm2, $0xE80, v6;
	v7 =	vsel vm2, $0xF00, v7;
	v4 =	vsel vm6, $0x980, v4  }
0x2f: {  	s23 =	simm.s32 $0x2;
	s5 =	sand.u32 $0x1, s5;
	[dreg:$0x9] =	wrdreg s29;
	v8 =	vsel vm2, $0xF80, v8;
	v3 =	vsel vm0, $0x1D00, v3;
	v4 =	vsel vm5, $0x1980, v4  }
0x30: {  	s9 =	sshll.u32 s9, $0x7;
	s6 =	ssub.s32 $0x2, s5;
	[dreg:$0xa] =	wrdreg s30;
	v5 =	vsel vm0, $0x1E00, v5;
	v6 =	vsel vm0, $0x1E80, v6;
	v4 =	vsel vm4, $0x2980, v4  }
0x31: {  	s5 =	sshll.u32 s5, $0x6;
	[dreg:$0xb] =	wrdreg s31;
	s8 =	sshrl.u32 s6, $0x1;
	v7 =	vsel vm0, $0x1F00, v7;
	v8 =	vsel vm0, $0x1F80, v8;
	v4 =	vsel vm3, $0x3980, v4  }
0x32: {  	s25 =	simm.s32 $0x0;
	s9 =	sor.u32 s5, s9;
	s8 =	ssub.s32 s6, s8;
	v3 =	vsel vm1, $0x2D00, v3;
	v5 =	vsel vm1, $0x2E00, v5;
	v4 =	vsel vm2, $0xD80, v4  }
0x33: {  	s2 =	sadd.s32 s2, s9;
	s6 =	sadd.s32 s4, s9;
	s7 =	sadd.s32 s7, s9;
	v6 =	vsel vm1, $0x2E80, v6;
	v7 =	vsel vm1, $0x2F00, v7;
	v4 =	vsel vm0, $0x1D80, v4  }
0x34: {  	s9 =	simm.s32 $0x3;
	[dreg:$0xc] =	wrdreg s2;
	s8 =	smax.u32 s8, $0x1;
	v8 =	vsel vm1, $0x2F80, v8;
	v2 =	vsel vm1, $0x2C80, v2;
	v4 =	vsel vm1, $0x2D80, v4  }
.LBB2_1:
0x35: {  	s2 =	rddreg [dreg:$0xc]  }
0x36: {  	[tilespmem:s3], [sflag:$0x3] =	stream.linear.gather [hbm4b:s2+s3], $0x200, $0x38;
	[tilespmem:$0x10600] =	vst v63  }
0x37: {  	_ =	swait.ge [sflag:s9], $0x200  }
0x38: {  	[sflag:s9] =	ssyncset.done $0x0  }
0x39: {  	s30 =	simm.s32 $0x200;
	[sflag:s9] =	ssyncadd.s32 $0xFFFFFE00  }
0x3a: {  	[tilespmem:s30], [sflag:$0x3] =	stream.linear.gather [hbm4b:s6+s3], $0x200, $0x38;
	[tilespmem:$0x10600] =	vst v63  }
0x3b: {  	_ =	swait.ge [sflag:s9], $0x200  }
0x3c: {  	[sflag:s9] =	ssyncset.done $0x0  }
0x3d: {  	s2 =	simm.s32 $0x0;
	[sflag:s9] =	ssyncadd.s32 $0xFFFFFE00  }
0x3e: {  	v14 =	vld [tilespmem:s2+$0x0]  }
0x3f: {  	v15 =	vld [tilespmem:s2+$0x200];
	_ =	sdelay $0x3  }
0x40: {  	(v2sf) =	vpush v14, $0x0  }
0x41: {  	(v2sf) =	vpush v15, $0x0;
	_ =	sdelay $0x1  }
0x42: {  	(v2sf) =	vpush v14, $0x1  }
0x43: {  	(v2sf) =	vpush v15, $0x1  }
0x44: {  	(v2sf) =	vpush v14, $0x2  }
0x45: {  	(v2sf) =	vpush v15, $0x2  }
0x46: {  	(v2sf) =	vpush v14, $0x3  }
0x47: {  	(v2sf) =	vpush v15, $0x3  }
0x48: {  	(v2sf) =	vpush v14, $0x4  }
0x49: {  	(v2sf) =	vpush v15, $0x4  }
0x4a: {  	(v2sf) =	vpush v14, $0x5  }
0x4b: {  	(v2sf) =	vpush v15, $0x5  }
0x4c: {  	(v2sf) =	vpush v14, $0x6  }
0x4d: {  	(v2sf) =	vpush v15, $0x6  }
0x4e: {  	(v2sf) =	vpush v14, $0x7;
	s4 =	spop (v2sf)  }
0x4f: {  	(v2sf) =	vpush v15, $0x7;
	[smem:s2] =	sst s4;
	s31 =	spop (v2sf)  }
0x50: {  	(v2sf) =	vpush v14, $0x8;
	[smem:$0x200] =	sst s31  }
0x51: {  	s4 =	spop (v2sf)  }
0x52: {  	(v2sf) =	vpush v15, $0x8;
	[smem:$0x1] =	sst s4  }
0x53: {  	s4 =	spop (v2sf)  }
0x54: {  	(v2sf) =	vpush v14, $0x9;
	[smem:$0x201] =	sst s4  }
0x55: {  	s4 =	spop (v2sf)  }
0x56: {  	(v2sf) =	vpush v15, $0x9;
	[smem:$0x2] =	sst s4  }
0x57: {  	s4 =	spop (v2sf)  }
0x58: {  	(v2sf) =	vpush v14, $0xA;
	[smem:$0x202] =	sst s4  }
0x59: {  	s4 =	spop (v2sf)  }
0x5a: {  	(v2sf) =	vpush v15, $0xA;
	[smem:$0x3] =	sst s4  }
0x5b: {  	s4 =	spop (v2sf)  }
0x5c: {  	(v2sf) =	vpush v14, $0xB;
	[smem:$0x203] =	sst s4  }
0x5d: {  	s4 =	spop (v2sf)  }
0x5e: {  	(v2sf) =	vpush v15, $0xB;
	[smem:$0x4] =	sst s4  }
0x5f: {  	s4 =	spop (v2sf)  }
0x60: {  	(v2sf) =	vpush v14, $0xC;
	[smem:$0x204] =	sst s4  }
0x61: {  	s4 =	spop (v2sf)  }
0x62: {  	(v2sf) =	vpush v15, $0xC;
	[smem:$0x5] =	sst s4  }
0x63: {  	s4 =	spop (v2sf)  }
0x64: {  	(v2sf) =	vpush v14, $0xD;
	[smem:$0x205] =	sst s4  }
0x65: {  	s26 =	simm.s32 $0x10;
	s4 =	spop (v2sf)  }
0x66: {  	(v2sf) =	vpush v15, $0xD;
	v12 =	vld [tilespmem:s26+$0x0];
	[smem:$0x6] =	sst s4  }
0x67: {  	s4 =	spop (v2sf)  }
0x68: {  	(v2sf) =	vpush v14, $0xE;
	v13 =	vld [tilespmem:s26+$0x200];
	[smem:$0x206] =	sst s4  }
0x69: {  	s4 =	spop (v2sf)  }
0x6a: {  	(v2sf) =	vpush v15, $0xE;
	[smem:$0x7] =	sst s4  }
0x6b: {  	s4 =	spop (v2sf)  }
0x6c: {  	(v2sf) =	vpush v14, $0xF;
	[smem:$0x207] =	sst s4  }
0x6d: {  	s4 =	spop (v2sf)  }
0x6e: {  	(v2sf) =	vpush v15, $0xF;
	[smem:$0x8] =	sst s4  }
0x6f: {  	s4 =	spop (v2sf)  }
0x70: {  	(v2sf) =	vpush v12, $0x0;
	[smem:$0x208] =	sst s4  }
0x71: {  	s4 =	spop (v2sf)  }
0x72: {  	(v2sf) =	vpush v13, $0x0;
	[smem:$0x9] =	sst s4  }
0x73: {  	s4 =	spop (v2sf)  }
0x74: {  	(v2sf) =	vpush v12, $0x1;
	[smem:$0x209] =	sst s4  }
0x75: {  	s4 =	spop (v2sf)  }
0x76: {  	(v2sf) =	vpush v13, $0x1;
	[smem:$0xA] =	sst s4  }
0x77: {  	s4 =	spop (v2sf)  }
0x78: {  	(v2sf) =	vpush v12, $0x2;
	[smem:$0x20A] =	sst s4  }
0x79: {  	s4 =	spop (v2sf)  }
0x7a: {  	(v2sf) =	vpush v13, $0x2;
	[smem:$0xB] =	sst s4  }
0x7b: {  	s4 =	spop (v2sf)  }
0x7c: {  	(v2sf) =	vpush v12, $0x3;
	[smem:$0x20B] =	sst s4  }
0x7d: {  	s4 =	spop (v2sf)  }
0x7e: {  	(v2sf) =	vpush v13, $0x3;
	[smem:$0xC] =	sst s4  }
0x7f: {  	s4 =	spop (v2sf)  }
0x80: {  	(v2sf) =	vpush v12, $0x4;
	[smem:$0x20C] =	sst s4  }
0x81: {  	s4 =	spop (v2sf)  }
0x82: {  	(v2sf) =	vpush v13, $0x4;
	[smem:$0xD] =	sst s4  }
0x83: {  	s4 =	spop (v2sf)  }
0x84: {  	(v2sf) =	vpush v12, $0x5;
	[smem:$0x20D] =	sst s4  }
0x85: {  	s4 =	spop (v2sf)  }
0x86: {  	(v2sf) =	vpush v13, $0x5;
	[smem:$0xE] =	sst s4  }
0x87: {  	s4 =	spop (v2sf)  }
0x88: {  	(v2sf) =	vpush v12, $0x6;
	[smem:$0x20E] =	sst s4  }
0x89: {  	s4 =	spop (v2sf)  }
0x8a: {  	(v2sf) =	vpush v13, $0x6;
	[smem:$0xF] =	sst s4  }
0x8b: {  	s28 =	simm.s32 $0x80;
	s4 =	spop (v2sf)  }
.LBB2_2:
0x8c: {  	p0 =	sne.s32 s28, $0x7C0;
	[smem:s2+$0x20F] =	sst s4  }
0x8d: {  	(v2sf) =	vpush v12, $0x7;
	s4 =	smov.u32 s28;
	s28 =	sadd.s32 $0x40, s28;
	s2 =	smov.u32 s26  }
0x8e: {  	s11 =	spop (v2sf);
	(v2sf) =	vpush v13, $0x7  }
0x8f: {  	[smem:s2] =	sst s11;
	s11 =	spop (v2sf);
	(v2sf) =	vpush v12, $0x8  }
0x90: {  	[smem:s2+$0x200] =	sst s11;
	s11 =	spop (v2sf);
	(v2sf) =	vpush v13, $0x8  }
0x91: {  	[smem:s2+$0x1] =	sst s11;
	s11 =	spop (v2sf);
	(v2sf) =	vpush v12, $0x9  }
0x92: {  	[smem:s2+$0x201] =	sst s11;
	s11 =	spop (v2sf);
	(v2sf) =	vpush v13, $0x9  }
0x93: {  	[smem:s2+$0x2] =	sst s11;
	s11 =	spop (v2sf);
	(v2sf) =	vpush v12, $0xA  }
0x94: {  	[smem:s2+$0x202] =	sst s11;
	s11 =	spop (v2sf);
	(v2sf) =	vpush v13, $0xA  }
0x95: {  	[smem:s2+$0x3] =	sst s11;
	s11 =	spop (v2sf);
	(v2sf) =	vpush v12, $0xB  }
0x96: {  	[smem:s2+$0x203] =	sst s11;
	s11 =	spop (v2sf);
	(v2sf) =	vpush v13, $0xB  }
0x97: {  	[smem:s2+$0x4] =	sst s11;
	s11 =	spop (v2sf);
	(v2sf) =	vpush v12, $0xC  }
0x98: {  	[smem:s2+$0x204] =	sst s11;
	s11 =	spop (v2sf);
	(v2sf) =	vpush v13, $0xC  }
0x99: {  	[smem:s2+$0x5] =	sst s11;
	s11 =	spop (v2sf);
	(v2sf) =	vpush v12, $0xD  }
0x9a: {  	s26 =	sshra.s32 s4, $0x2;
	[smem:s2+$0x205] =	sst s11;
	s4 =	spop (v2sf);
	(v2sf) =	vpush v13, $0xD  }
0x9b: {  	v14 =	vld [tilespmem:s26+$0x0];
	[smem:s2+$0x6] =	sst s4;
	s4 =	spop (v2sf);
	(v2sf) =	vpush v12, $0xE  }
0x9c: {  	v15 =	vld [tilespmem:s26+$0x200];
	[smem:s2+$0x206] =	sst s4;
	s4 =	spop (v2sf);
	(v2sf) =	vpush v13, $0xE  }
0x9d: {  	[smem:s2+$0x7] =	sst s4;
	s4 =	spop (v2sf);
	(v2sf) =	vpush v12, $0xF  }
0x9e: {  	[smem:s2+$0x207] =	sst s4;
	s4 =	spop (v2sf);
	(v2sf) =	vpush v13, $0xF  }
0x9f: {  	[smem:s2+$0x8] =	sst s4;
	s4 =	spop (v2sf)  }
0xa0: {  	(v2sf) =	vpush v14, $0x0;
	[smem:s2+$0x208] =	sst s4;
	s4 =	spop (v2sf);
	v12 =	vmov v14  }
0xa1: {  	(v2sf) =	vpush v15, $0x0;
	[smem:s2+$0x9] =	sst s4;
	s4 =	spop (v2sf);
	v13 =	vmov v15  }
0xa2: {  	(v2sf) =	vpush v12, $0x1;
	[smem:s2+$0x209] =	sst s4;
	s4 =	spop (v2sf)  }
0xa3: {  	(v2sf) =	vpush v13, $0x1;
	[smem:s2+$0xA] =	sst s4;
	s4 =	spop (v2sf)  }
0xa4: {  	(v2sf) =	vpush v12, $0x2;
	[smem:s2+$0x20A] =	sst s4;
	s4 =	spop (v2sf)  }
0xa5: {  	(v2sf) =	vpush v13, $0x2;
	[smem:s2+$0xB] =	sst s4;
	s4 =	spop (v2sf)  }
0xa6: {  	(v2sf) =	vpush v12, $0x3;
	[smem:s2+$0x20B] =	sst s4;
	s4 =	spop (v2sf)  }
0xa7: {  	(v2sf) =	vpush v13, $0x3;
	[smem:s2+$0xC] =	sst s4;
	s4 =	spop (v2sf)  }
0xa8: {  	(v2sf) =	vpush v12, $0x4;
	[smem:s2+$0x20C] =	sst s4;
	s4 =	spop (v2sf)  }
0xa9: {  	[smem:s2+$0xD] =	sst s4  }
.Ltmp0:
0xaa: {  	(v2sf) =	vpush v13, $0x4;
	s4 =	spop (v2sf);
	(pc) =	sbr.rel @p0 .LBB2_2-.Ltmp0, $4  }
0xab: {  	(v2sf) =	vpush v12, $0x5;
	[smem:s2+$0x20D] =	sst s4;
	s4 =	spop (v2sf)  }
0xac: {  	(v2sf) =	vpush v13, $0x5;
	[smem:s2+$0xE] =	sst s4;
	s4 =	spop (v2sf)  }
0xad: {  	(v2sf) =	vpush v12, $0x6;
	[smem:s2+$0x20E] =	sst s4;
	s4 =	spop (v2sf)  }
0xae: {  	(v2sf) =	vpush v13, $0x6;
	[smem:s2+$0xF] =	sst s4;
	s4 =	spop (v2sf)  }
0xaf: {  	(v2sf) =	vpush v12, $0x7  }
0xb0: {  	[smem:s2+$0x20F] =	sst s4;
	s24 =	spop (v2sf);
	(v2sf) =	vpush v13, $0x7  }
0xb1: {  	[smem:s26] =	sst s24;
	s4 =	spop (v2sf);
	(v2sf) =	vpush v12, $0x8  }
0xb2: {  	[smem:s26+$0x200] =	sst s4;
	s5 =	spop (v2sf);
	(v2sf) =	vpush v13, $0x8  }
0xb3: {  	[smem:s26+$0x1] =	sst s5;
	s11 =	spop (v2sf);
	(v2sf) =	vpush v12, $0x9  }
0xb4: {  	[smem:s26+$0x201] =	sst s11;
	s14 =	spop (v2sf);
	(v2sf) =	vpush v13, $0x9  }
0xb5: {  	[smem:s26+$0x2] =	sst s14;
	s15 =	spop (v2sf);
	(v2sf) =	vpush v12, $0xA  }
0xb6: {  	[smem:s26+$0x202] =	sst s15;
	s16 =	spop (v2sf);
	(v2sf) =	vpush v13, $0xA  }
0xb7: {  	[smem:s26+$0x3] =	sst s16;
	s17 =	spop (v2sf);
	(v2sf) =	vpush v12, $0xB  }
0xb8: {  	[smem:s26+$0x203] =	sst s17;
	s18 =	spop (v2sf);
	(v2sf) =	vpush v13, $0xB  }
0xb9: {  	[smem:s26+$0x4] =	sst s18;
	s19 =	spop (v2sf);
	(v2sf) =	vpush v12, $0xC  }
0xba: {  	[smem:s26+$0x204] =	sst s19;
	s24 =	spop (v2sf);
	(v2sf) =	vpush v13, $0xC  }
0xbb: {  	[smem:s26+$0x5] =	sst s24;
	s4 =	spop (v2sf);
	(v2sf) =	vpush v12, $0xD  }
0xbc: {  	[smem:s26+$0x205] =	sst s4;
	s5 =	spop (v2sf);
	(v2sf) =	vpush v13, $0xD  }
0xbd: {  	[smem:s26+$0x6] =	sst s5;
	s11 =	spop (v2sf);
	(v2sf) =	vpush v12, $0xE  }
0xbe: {  	[smem:s26+$0x206] =	sst s11;
	s14 =	spop (v2sf);
	(v2sf) =	vpush v13, $0xE  }
0xbf: {  	[smem:s26+$0x7] =	sst s14;
	s15 =	spop (v2sf);
	(v2sf) =	vpush v12, $0xF  }
0xc0: {  	[smem:s26+$0x207] =	sst s15;
	s16 =	spop (v2sf);
	(v2sf) =	vpush v13, $0xF  }
0xc1: {  	[smem:s26+$0x8] =	sst s16;
	s17 =	spop (v2sf)  }
0xc2: {  	[smem:s26+$0x208] =	sst s17;
	s18 =	spop (v2sf)  }
0xc3: {  	[smem:s26+$0x9] =	sst s18;
	s19 =	spop (v2sf)  }
0xc4: {  	[smem:s26+$0x209] =	sst s19;
	s24 =	spop (v2sf)  }
0xc5: {  	[smem:s26+$0xA] =	sst s24;
	s4 =	spop (v2sf)  }
0xc6: {  	[smem:s26+$0x20A] =	sst s4;
	s5 =	spop (v2sf)  }
0xc7: {  	[smem:s26+$0xB] =	sst s5;
	s11 =	spop (v2sf)  }
0xc8: {  	[smem:s26+$0x20B] =	sst s11;
	s14 =	spop (v2sf)  }
0xc9: {  	[smem:s26+$0xC] =	sst s14;
	s15 =	spop (v2sf)  }
0xca: {  	[smem:s26+$0x20C] =	sst s15;
	s16 =	spop (v2sf)  }
0xcb: {  	[smem:s26+$0xD] =	sst s16;
	s17 =	spop (v2sf)  }
0xcc: {  	[smem:s26+$0x20D] =	sst s17;
	s18 =	spop (v2sf)  }
0xcd: {  	[smem:s26+$0xE] =	sst s18;
	s19 =	spop (v2sf)  }
0xce: {  	[smem:s26+$0x20E] =	sst s19;
	s24 =	spop (v2sf)  }
0xcf: {  	[smem:s26+$0xF] =	sst s24;
	s4 =	spop (v2sf)  }
0xd0: {  	[smem:s26+$0x20F] =	sst s4  }
0xd1: {  	s2 =	sld [smem:$0x0]  }
0xd2: {  	s4 =	sld [smem:$0x200]  }
0xd3: {  	s18 =	simm.s32 $0x5400;
	s11 =	sld [smem:$0x1]  }
0xd4: {  	s26 =	simm.s32 $0x2400;
	s15 =	sld [smem:$0x201];
	s2 =	sand.u32 $0xFFFFF80, s2  }
0xd5: {  	s17 =	sld [smem:$0x2];
	s5 =	sand.u32 $0xFFFFF80, s4;
	s2 =	sadd.s32 s0, s2  }
0xd6: {  	[tilespmem:s12], [sflag:$0x1] =	stream.strided.gather [hbm4b:s2+s12], $0x1000, s10, s12, $0x38;
	[tilespmem:$0x10600] =	vst v63  }
0xd7: {  	s24 =	sld [smem:$0x202];
	s14 =	sand.u32 $0xFFFFF80, s11;
	s2 =	sadd.s32 s1, s5  }
0xd8: {  	[tilespmem:s13], [sflag:$0x1] =	stream.strided.gather [hbm4b:s2+s12], $0x1000, s10, s12, $0x38;
	[tilespmem:$0x10600] =	vst v63  }
0xd9: {  	s16 =	sand.u32 $0xFFFFF80, s15;
	s5 =	simm.s32 $0x1400;
	s2 =	sadd.s32 s0, s14  }
0xda: {  	[tilespmem:s5], [sflag:$0x1] =	stream.strided.gather [hbm4b:s2+s12], $0x1000, s10, s12, $0x38;
	[tilespmem:$0x10600] =	vst v63  }
0xdb: {  	s19 =	sand.u32 $0xFFFFF80, s17;
	s14 =	sld [smem:$0x3];
	s2 =	sadd.s32 s1, s16  }
0xdc: {  	[tilespmem:s18], [sflag:$0x1] =	stream.strided.gather [hbm4b:s2+s12], $0x1000, s10, s12, $0x38;
	[tilespmem:$0x10600] =	vst v63  }
0xdd: {  	s11 =	sand.u32 $0xFFFFF80, s24;
	s17 =	sld [smem:$0x203];
	s2 =	sadd.s32 s0, s19  }
0xde: {  	[tilespmem:s26], [sflag:$0x1] =	stream.strided.gather [hbm4b:s2+s12], $0x1000, s10, s12, $0x38;
	[tilespmem:$0x10600] =	vst v63  }
0xdf: {  	s15 =	simm.s32 $0x6400;
	s16 =	sand.u32 $0xFFFFF80, s14;
	s2 =	sadd.s32 s1, s11  }
0xe0: {  	[tilespmem:s15], [sflag:$0x1] =	stream.strided.gather [hbm4b:s2+s12], $0x1000, s10, s12, $0x38;
	[tilespmem:$0x10600] =	vst v63  }
0xe1: {  	s18 =	simm.s32 $0x3400;
	s19 =	sand.u32 $0xFFFFF80, s17;
	s2 =	sadd.s32 s0, s16  }
0xe2: {  	[tilespmem:s18], [sflag:$0x1] =	stream.strided.gather [hbm4b:s2+s12], $0x1000, s10, s12, $0x38;
	[tilespmem:$0x10600] =	vst v63  }
0xe3: {  	s24 =	simm.s32 $0x7400;
	s2 =	sadd.s32 s1, s19  }
0xe4: {  	[tilespmem:s24], [sflag:$0x1] =	stream.strided.gather [hbm4b:s2+s12], $0x1000, s10, s12, $0x38;
	[tilespmem:$0x10600] =	vst v63  }
0xe5: {  	s2 =	sld [smem:$0x4]  }
0xe6: {  	s26 =	sld [smem:$0x204]  }
0xe7: {  	s11 =	sld [smem:$0x207]  }
0xe8: {  	s14 =	sld [smem:$0x7]  }
0xe9: {  	s15 =	sld [smem:$0x206]  }
0xea: {  	s16 =	sld [smem:$0x5]  }
0xeb: {  	s2 =	sand.u32 $0xFFFFF80, s2;
	s17 =	sld [smem:$0x6]  }
0xec: {  	s2 =	sadd.s32 s0, s2;
	s4 =	sand.u32 $0xFFFFF80, s26;
	s18 =	sld [smem:$0x205]  }
0xed: {  	[tilespmem:s20], [sflag:$0x2] =	stream.strided.gather [hbm4b:s2+s12], $0x1000, s10, s12, $0x38;
	[tilespmem:$0x10600] =	vst v63  }
0xee: {  	s5 =	sadd.s32 s1, s4;
	s16 =	sand.u32 $0xFFFFF80, s16  }
0xef: {  	[tilespmem:s21], [sflag:$0x2] =	stream.strided.gather [hbm4b:s5+s12], $0x1000, s10, s12, $0x38;
	[tilespmem:$0x10600] =	vst v63  }
0xf0: {  	s19 =	rddreg [dreg:$0x6];
	s24 =	sadd.s32 s0, s16;
	s26 =	sand.u32 $0xFFFFF80, s18  }
0xf1: {  	[tilespmem:s19], [sflag:$0x2] =	stream.strided.gather [hbm4b:s24+s12], $0x1000, s10, s12, $0x38;
	[tilespmem:$0x10600] =	vst v63  }
0xf2: {  	s5 =	rddreg [dreg:$0x7];
	s16 =	sand.u32 $0xFFFFF80, s17;
	s4 =	sadd.s32 s1, s26  }
0xf3: {  	[tilespmem:s5], [sflag:$0x2] =	stream.strided.gather [hbm4b:s4+s12], $0x1000, s10, s12, $0x38;
	[tilespmem:$0x10600] =	vst v63  }
0xf4: {  	s17 =	rddreg [dreg:$0x8];
	s2 =	sadd.s32 s0, s16;
	s19 =	sand.u32 $0xFFFFF80, s15  }
0xf5: {  	[tilespmem:s17], [sflag:$0x2] =	stream.strided.gather [hbm4b:s2+s12], $0x1000, s10, s12, $0x38;
	[tilespmem:$0x10600] =	vst v63  }
0xf6: {  	s24 =	rddreg [dreg:$0x9];
	s26 =	sand.u32 $0xFFFFF80, s14;
	s4 =	sadd.s32 s1, s19  }
0xf7: {  	[tilespmem:s24], [sflag:$0x2] =	stream.strided.gather [hbm4b:s4+s12], $0x1000, s10, s12, $0x38;
	[tilespmem:$0x10600] =	vst v63  }
0xf8: {  	s11 =	sand.u32 $0xFFFFF80, s11;
	s5 =	rddreg [dreg:$0xa];
	s2 =	sadd.s32 s0, s26  }
0xf9: {  	[tilespmem:s5], [sflag:$0x2] =	stream.strided.gather [hbm4b:s2+s12], $0x1000, s10, s12, $0x38;
	[tilespmem:$0x10600] =	vst v63  }
0xfa: {  	s16 =	sadd.s32 s1, s11;
	s15 =	rddreg [dreg:$0xb]  }
0xfb: {  	[tilespmem:s15], [sflag:$0x2] =	stream.strided.gather [hbm4b:s16+s12], $0x1000, s10, s12, $0x38;
	[tilespmem:$0x10600] =	vst v63  }
0xfc: {  	_ =	swait.ge [sflag:s22], $0x1000  }
0xfd: {  	[sflag:s22] =	ssyncset.done $0x0  }
0xfe: {  	[sflag:s22] =	ssyncadd.s32 $0xFFFFF000  }
0xff: {  	_ =	swait.ge [sflag:s22], $0x1000  }
0x100: {  	[sflag:s22] =	ssyncset.done $0x0  }
0x101: {  	[sflag:s22] =	ssyncadd.s32 $0xFFFFF000  }
0x102: {  	_ =	swait.ge [sflag:s22], $0x1000  }
0x103: {  	[sflag:s22] =	ssyncset.done $0x0  }
0x104: {  	[sflag:s22] =	ssyncadd.s32 $0xFFFFF000  }
0x105: {  	_ =	swait.ge [sflag:s22], $0x1000  }
0x106: {  	[sflag:s22] =	ssyncset.done $0x0  }
0x107: {  	[sflag:s22] =	ssyncadd.s32 $0xFFFFF000  }
0x108: {  	_ =	swait.ge [sflag:s22], $0x1000  }
0x109: {  	[sflag:s22] =	ssyncset.done $0x0  }
0x10a: {  	[sflag:s22] =	ssyncadd.s32 $0xFFFFF000  }
0x10b: {  	_ =	swait.ge [sflag:s22], $0x1000  }
0x10c: {  	[sflag:s22] =	ssyncset.done $0x0  }
0x10d: {  	[sflag:s22] =	ssyncadd.s32 $0xFFFFF000  }
0x10e: {  	_ =	swait.ge [sflag:s22], $0x1000  }
0x10f: {  	[sflag:s22] =	ssyncset.done $0x0  }
0x110: {  	[sflag:s22] =	ssyncadd.s32 $0xFFFFF000  }
0x111: {  	_ =	swait.ge [sflag:s22], $0x1000  }
0x112: {  	s26 =	simm.s32 $0x0;
	[sflag:s22] =	ssyncset.done $0x0  }
0x113: {  	s28 =	sand.u32 $0x1F0, s26;
	[sflag:s22] =	ssyncadd.s32 $0xFFFFF000  }
0x114: {  	v12 =	vld [tilespmem:s28+$0x200]  }
0x115: {  	s17 =	simm.s32 $0x0  }
0x116: {  	p0 =	por $0x0, $0x0;
	s2 =	sand.u32 $0x2, s17  }
0x117: {  	s18 =	sshll.u32 s2, $0x2;
	s4 =	sld @!p0 [smem:$0x8];
	v13 =	vld [tilespmem:s28+$0x0]  }
0x118: {  	v14 =	vor.u32 s18, v0  }
0x119: {  	v12 =	vperm.xlane v12, v14;
	_ =	sdelay $0x1  }
0x11a: {  	s11 =	sld @!p0 [smem:$0x208];
	v12 =	vand.u32 $0x7F, v12  }
0x11b: {  	s14 =	sld @!p0 [smem:$0x9];
	v13 =	vperm.xlane v13, v14;
	v14 =	vor.u32 v1, v12  }
0x11c: {  	s15 =	sld @!p0 [smem:$0x209];
	v15 =	vor.u32 v3, v12  }
0x11d: {  	s16 =	sld @!p0 [smem:$0xA];
	v13 =	vand.u32 $0x7F, v13;
	v16 =	vor.u32 v2, v12  }
0x11e: {  	s17 =	sld @!p0 [smem:$0x20A];
	v17 =	vor.u32 v3, v13  }
0x11f: {  	s18 =	sld @!p0 [smem:$0xB];
	v18 =	vor.u32 v4, v12  }
0x120: {  	s19 =	sld @!p0 [smem:$0x20B];
	v19 =	vor.u32 v5, v12;
	v14 =	vld.idx.msk [tilespmem:v14+s13+$0x0], $0xffff  }
0x121: {  	v20 =	vor.u32 v7, v13;
	v15 =	vld.idx.msk [tilespmem:v15+s13+$0x0], $0xffff  }
0x122: {  	v21 =	vor.u32 v7, v12;
	v16 =	vld.idx.msk [tilespmem:v16+s13+$0x0], $0xffff  }
0x123: {  	v22 =	vor.u32 v6, v12;
	v17 =	vld.idx.msk [tilespmem:v17+s12+$0x0], $0xffff  }
0x124: {  	v23 =	vor.u32 v1, v13;
	v18 =	vld.idx.msk [tilespmem:v18+s13+$0x0], $0xffff  }
0x125: {  	v24 =	vor.u32 v5, v13;
	v19 =	vld.idx.msk [tilespmem:v19+s13+$0x0], $0xffff  }
0x126: {  	v25 =	vor.u32 v2, v13;
	v20 =	vld.idx.msk [tilespmem:v20+s12+$0x0], $0xffff  }
0x127: {  	v26 =	vor.u32 v4, v13;
	v21 =	vld.idx.msk [tilespmem:v21+s13+$0x0], $0xffff  }
0x128: {  	v12 =	vor.u32 v8, v12;
	v22 =	vld.idx.msk [tilespmem:v22+s13+$0x0], $0xffff  }
0x129: {  	v27 =	vor.u32 v8, v13;
	v23 =	vld.idx.msk [tilespmem:v23+s12+$0x0], $0xffff  }
0x12a: {  	v13 =	vor.u32 v6, v13;
	v24 =	vld.idx.msk [tilespmem:v24+s12+$0x0], $0xffff  }
0x12b: {  	v25 =	vld.idx.msk [tilespmem:v25+s12+$0x0], $0xffff  }
0x12c: {  	v26 =	vld.idx.msk [tilespmem:v26+s12+$0x0], $0xffff  }
0x12d: {  	s29 =	simm.s32 @!p0 $0x7A1400;
	s4 =	sand.u32 @!p0 $0xFFFFF80, s4;
	v12 =	vld.idx.msk [tilespmem:v12+s13+$0x0], $0xffff  }
0x12e: {  	s30 =	simm.s32 @!p0 $0x400;
	s11 =	sand.u32 @!p0 $0xFFFFF80, s11;
	s4 =	sadd.s32 @!p0 s0, s4;
	v27 =	vld.idx.msk [tilespmem:v27+s12+$0x0], $0xffff  }
0x12f: {  	v13 =	vld.idx.msk [tilespmem:v13+s12+$0x0], $0xffff;
	[tilespmem:s30], [sflag:$0x1] =	stream.strided.gather @!p0 [hbm4b:s4+s30], $0x1000, s29, s30, $0x38  }
0x130: {  	s4 =	sadd.s32 @!p0 s1, s11;
	s11 =	simm.s32 @!p0 $0x4400  }
0x131: {  	[tilespmem:s11], [sflag:$0x1] =	stream.strided.gather @!p0 [hbm4b:s4+s30], $0x1000, s29, s30, $0x38;
	[tilespmem:$0x10600] =	vst v63  }
0x132: {  	s4 =	sand.u32 @!p0 $0xFFFFF80, s14  }
0x133: {  	s11 =	simm.s32 @!p0 $0x1400;
	s4 =	sadd.s32 @!p0 s0, s4  }
0x134: {  	[tilespmem:s11], [sflag:$0x1] =	stream.strided.gather @!p0 [hbm4b:s4+s30], $0x1000, s29, s30, $0x38;
	[tilespmem:$0x10600] =	vst v63  }
0x135: {  	s4 =	sand.u32 @!p0 $0xFFFFF80, s15  }
0x136: {  	s11 =	simm.s32 @!p0 $0x5400;
	s4 =	sadd.s32 @!p0 s1, s4  }
0x137: {  	[tilespmem:s11], [sflag:$0x1] =	stream.strided.gather @!p0 [hbm4b:s4+s30], $0x1000, s29, s30, $0x38;
	[tilespmem:$0x10600] =	vst v63  }
0x138: {  	s4 =	sand.u32 @!p0 $0xFFFFF80, s16  }
0x139: {  	s11 =	simm.s32 @!p0 $0x2400;
	s4 =	sadd.s32 @!p0 s0, s4  }
0x13a: {  	[tilespmem:s11], [sflag:$0x1] =	stream.strided.gather @!p0 [hbm4b:s4+s30], $0x1000, s29, s30, $0x38;
	[tilespmem:$0x10600] =	vst v63  }
0x13b: {  	s4 =	sand.u32 @!p0 $0xFFFFF80, s17  }
0x13c: {  	s11 =	simm.s32 @!p0 $0x6400;
	s4 =	sadd.s32 @!p0 s1, s4  }
0x13d: {  	[tilespmem:s11], [sflag:$0x1] =	stream.strided.gather @!p0 [hbm4b:s4+s30], $0x1000, s29, s30, $0x38;
	[tilespmem:$0x10600] =	vst v63  }
0x13e: {  	s4 =	sand.u32 @!p0 $0xFFFFF80, s18  }
0x13f: {  	s11 =	simm.s32 @!p0 $0x3400;
	s4 =	sadd.s32 @!p0 s0, s4  }
0x140: {  	[tilespmem:s11], [sflag:$0x1] =	stream.strided.gather @!p0 [hbm4b:s4+s30], $0x1000, s29, s30, $0x38;
	[tilespmem:$0x10600] =	vst v63  }
0x141: {  	s4 =	sand.u32 @!p0 $0xFFFFF80, s19  }
0x142: {  	s11 =	simm.s32 @!p0 $0x7400;
	s4 =	sadd.s32 @!p0 s1, s4  }
0x143: {  	[tilespmem:s11], [sflag:$0x1] =	stream.strided.gather @!p0 [hbm4b:s4+s30], $0x1000, s29, s30, $0x38;
	[tilespmem:$0x10600] =	vst v63  }
0x144: {  	_ =	swait.ge [sflag:s23], $0x1000  }
0x145: {  	[sflag:s23] =	ssyncset.done $0x0  }
0x146: {  	[sflag:s23] =	ssyncadd.s32 $0xFFFFF000  }
0x147: {  	_ =	swait.ge [sflag:s23], $0x1000  }
0x148: {  	[sflag:s23] =	ssyncset.done $0x0  }
0x149: {  	[sflag:s23] =	ssyncadd.s32 $0xFFFFF000  }
0x14a: {  	_ =	swait.ge [sflag:s23], $0x1000  }
0x14b: {  	[sflag:s23] =	ssyncset.done $0x0  }
0x14c: {  	[sflag:s23] =	ssyncadd.s32 $0xFFFFF000  }
0x14d: {  	_ =	swait.ge [sflag:s23], $0x1000  }
0x14e: {  	v14 =	vmul.f32 v14, v23;
	[sflag:s23] =	ssyncset.done $0x0  }
0x14f: {  	[sflag:s23] =	ssyncadd.s32 $0xFFFFF000  }
0x150: {  	v16 =	vmul.f32 v16, v25;
	v14 =	vadd.f32 $0.0e+00, v14;
	_ =	swait.ge [sflag:s23], $0x1000  }
0x151: {  	[sflag:s23] =	ssyncset.done $0x0  }
0x152: {  	v15 =	vmul.f32 v15, v17;
	v14 =	vadd.f32 v16, v14;
	[sflag:s23] =	ssyncadd.s32 $0xFFFFF000  }
0x153: {  	_ =	swait.ge [sflag:s23], $0x1000  }
0x154: {  	v16 =	vmul.f32 v18, v26;
	v14 =	vadd.f32 v15, v14;
	[sflag:s23] =	ssyncset.done $0x0  }
0x155: {  	[sflag:s23] =	ssyncadd.s32 $0xFFFFF000  }
0x156: {  	v15 =	vmul.f32 v19, v24;
	v14 =	vadd.f32 v16, v14;
	_ =	swait.ge [sflag:s23], $0x1000  }
0x157: {  	[sflag:s23] =	ssyncset.done $0x0  }
0x158: {  	v13 =	vmul.f32 v22, v13;
	v14 =	vadd.f32 v15, v14;
	[sflag:s23] =	ssyncadd.s32 $0xFFFFF000  }
0x159: {  	_ =	swait.ge [sflag:s23], $0x1000  }
0x15a: {  	v15 =	vmul.f32 v21, v20;
	v13 =	vadd.f32 v13, v14;
	[sflag:s23] =	ssyncset.done $0x0  }
0x15b: {  	[sflag:s23] =	ssyncadd.s32 $0xFFFFF000  }
0x15c: {  	v12 =	vmul.f32 v12, v27;
	v13 =	vadd.f32 v15, v13;
	v14 =	vld [tilespmem:s28+$0x0]  }
0x15d: {  	s19 =	simm.s32 $0x1;
	v15 =	vld [tilespmem:s28+$0x200]  }
0x15e: {  	s4 =	sand.u32 $0x3, s19;
	v12 =	vadd.f32 v12, v13  }
0x15f: {  	s24 =	sshll.u32 s4, $0x2  }
0x160: {  	v16 =	vor.u32 s24, v0;
	v13 =	vperm.xlane v12, v9  }
0x161: {  	v14 =	vperm.xlane v14, v16  }
0x162: {  	v12 =	vadd.f32 v12, v13;
	v13 =	vperm.xlane v15, v16  }
0x163: {  	v17 =	vand.u32 $0x7F, v14  }
0x164: {  	v16 =	vand.u32 $0x7F, v13;
	v18 =	vor.u32 v1, v17  }
0x165: {  	v19 =	vor.u32 v1, v16  }
0x166: {  	v28 =	vor.u32 v2, v17  }
0x167: {  	v15 =	vmov s4;
	v14 =	vperm.xlane v12, v10;
	v30 =	vor.u32 v2, v16  }
0x168: {  	v13 =	vmov s2;
	v26 =	vor.u32 v3, v16;
	v25 =	vor.u32 v3, v17  }
0x169: {  	v24 =	vor.u32 v4, v17;
	v23 =	vor.u32 v5, v16;
	v14 =	vadd.f32 v12, v14;
	v27 =	vld.idx.msk [tilespmem:v18+s20+$0x0], $0xffff  }
0x16a: {  	v21 =	vor.u32 v5, v17;
	v22 =	vor.u32 v6, v16;
	v20 =	vor.u32 v7, v17;
	v29 =	vld.idx.msk [tilespmem:v19+s21+$0x0], $0xffff  }
0x16b: {  	v31 =	vor.u32 v4, v16;
	v12 =	vimm.f32 $0.0e+00;
	v14 =	vperm.xlane v14, v0;
	v28 =	vld.idx.msk [tilespmem:v28+s20+$0x0], $0xffff  }
0x16c: {  	s31 =	simm.s32 $0x20E;
	s29 =	simm.s32 $0x6;
	s30 =	simm.s32 $0x3;
	v18 =	vor.u32 v6, v17;
	v19 =	vor.u32 v7, v16;
	v17 =	vor.u32 v8, v17;
	v30 =	vld.idx.msk [tilespmem:v30+s21+$0x0], $0xffff  }
.LBB2_4:
0x16d: {  	_ =	sdelay $0x2  }
0x16e: {  	v26 =	vld.idx.msk [tilespmem:v26+s21+$0x0], $0xffff  }
0x16f: {  	v25 =	vld.idx.msk [tilespmem:v25+s20+$0x0], $0xffff  }
0x170: {  	v31 =	vld.idx.msk [tilespmem:v31+s21+$0x0], $0xffff;
	v27 =	vmul.f32 v29, v27  }
0x171: {  	v24 =	vld.idx.msk [tilespmem:v24+s20+$0x0], $0xffff  }
0x172: {  	v23 =	vld.idx.msk [tilespmem:v23+s21+$0x0], $0xffff;
	v28 =	vmul.f32 v30, v28;
	v27 =	vadd.f32 $0.0e+00, v27  }
0x173: {  	v21 =	vld.idx.msk [tilespmem:v21+s20+$0x0], $0xffff  }
0x174: {  	v16 =	vor.u32 v8, v16;
	v22 =	vld.idx.msk [tilespmem:v22+s21+$0x0], $0xffff;
	v25 =	vmul.f32 v26, v25;
	v27 =	vadd.f32 v28, v27  }
0x175: {  	v18 =	vld.idx.msk [tilespmem:v18+s20+$0x0], $0xffff  }
0x176: {  	v20 =	vld.idx.msk [tilespmem:v20+s20+$0x0], $0xffff;
	v24 =	vmul.f32 v31, v24;
	v25 =	vadd.f32 v25, v27  }
0x177: {  	v19 =	vld.idx.msk [tilespmem:v19+s21+$0x0], $0xffff  }
0x178: {  	v17 =	vld.idx.msk [tilespmem:v17+s20+$0x0], $0xffff;
	v21 =	vmul.f32 v23, v21;
	v24 =	vadd.f32 v24, v25  }
0x179: {  	v16 =	vld.idx.msk [tilespmem:v16+s21+$0x0], $0xffff  }
0x17a: {  	v18 =	vmul.f32 v22, v18;
	v21 =	vadd.f32 v21, v24;
	_ =	sdelay $0x1  }
0x17b: {  	v19 =	vmul.f32 v19, v20;
	v18 =	vadd.f32 v18, v21;
	_ =	sdelay $0x1  }
0x17c: {  	v16 =	vmul.f32 v16, v17;
	v18 =	vadd.f32 v19, v18;
	_ =	sdelay $0x1  }
0x17d: {  	v16 =	vadd.f32 v16, v18;
	_ =	sdelay $0x1  }
0x17e: {  	v17 =	vperm.xlane v16, v9;
	_ =	sdelay $0x1  }
0x17f: {  	v16 =	vadd.f32 v16, v17;
	_ =	sdelay $0x1  }
0x180: {  	v17 =	vperm.xlane v16, v10  }
0x181: {  	s11 =	sld [smem:s31+$0xFFFFFFFE]  }
0x182: {  	s29 =	sadd.s32 $0x8, s29;
	s14 =	sld [smem:s31+$0x1];
	v16 =	vadd.f32 v16, v17  }
0x183: {  	s4 =	sld [smem:s29+$0xFFFFFFFE]  }
0x184: {  	s16 =	sld [smem:s31+$0x0];
	vm0 =	veq.s32 v13, v11;
	v16 =	vperm.xlane v16, v0  }
0x185: {  	vm15 =	veq.s32 v15, v11;
	s19 =	sld [smem:s31+$0xFFFFFFFF];
	v12 =	vsel vm0, v14, v12  }
0x186: {  	s17 =	sld [smem:s29+$0xFFFFFFFF];
	s4 =	sand.u32 $0xFFFFF80, s4;
	v12 =	vsel vm15, v16, v12  }
0x187: {  	s15 =	sld [smem:s29+$0x1];
	s11 =	sand.u32 $0xFFFFF80, s11;
	s4 =	sadd.s32 s0, s4;
	[tilespmem:s28+$0x10400] =	vst v12  }
0x188: {  	[tilespmem:s20], [sflag:$0x2] =	stream.strided.gather [hbm4b:s4+s12], $0x1000, s10, s12, $0x38;
	[tilespmem:$0x10600] =	vst v63  }
0x189: {  	s18 =	sld [smem:s29+$0x0];
	s11 =	sadd.s32 s1, s11;
	s5 =	sand.u32 $0xFFFFF80, s17  }
0x18a: {  	[tilespmem:s21], [sflag:$0x2] =	stream.strided.gather [hbm4b:s11+s12], $0x1000, s10, s12, $0x38;
	[tilespmem:$0x10600] =	vst v63  }
0x18b: {  	s24 =	sand.u32 $0xFFFFF80, s19;
	s17 =	rddreg [dreg:$0x6];
	s4 =	sadd.s32 s0, s5  }
0x18c: {  	[tilespmem:s17], [sflag:$0x2] =	stream.strided.gather [hbm4b:s4+s12], $0x1000, s10, s12, $0x38;
	[tilespmem:$0x10600] =	vst v63  }
0x18d: {  	s18 =	sand.u32 $0xFFFFF80, s18;
	s5 =	rddreg [dreg:$0x7];
	s11 =	sadd.s32 s1, s24  }
0x18e: {  	[tilespmem:s5], [sflag:$0x2] =	stream.strided.gather [hbm4b:s11+s12], $0x1000, s10, s12, $0x38;
	[tilespmem:$0x10600] =	vst v63  }
0x18f: {  	s16 =	sand.u32 $0xFFFFF80, s16;
	s24 =	sadd.s32 s0, s18;
	s17 =	rddreg [dreg:$0x8]  }
0x190: {  	[tilespmem:s17], [sflag:$0x2] =	stream.strided.gather [hbm4b:s24+s12], $0x1000, s10, s12, $0x38;
	[tilespmem:$0x10600] =	vst v63  }
0x191: {  	s15 =	sand.u32 $0xFFFFF80, s15;
	s18 =	sadd.s32 s1, s16;
	s5 =	rddreg [dreg:$0x9]  }
0x192: {  	[tilespmem:s5], [sflag:$0x2] =	stream.strided.gather [hbm4b:s18+s12], $0x1000, s10, s12, $0x38;
	[tilespmem:$0x10600] =	vst v63  }
0x193: {  	s14 =	sand.u32 $0xFFFFF80, s14;
	s19 =	rddreg [dreg:$0xa];
	s24 =	sadd.s32 s0, s15  }
0x194: {  	[tilespmem:s19], [sflag:$0x2] =	stream.strided.gather [hbm4b:s24+s12], $0x1000, s10, s12, $0x38;
	[tilespmem:$0x10600] =	vst v63  }
0x195: {  	s16 =	sadd.s32 s1, s14;
	s5 =	rddreg [dreg:$0xb]  }
0x196: {  	[tilespmem:s5], [sflag:$0x2] =	stream.strided.gather [hbm4b:s16+s12], $0x1000, s10, s12, $0x38;
	[tilespmem:$0x10600] =	vst v63  }
0x197: {  	_ =	swait.ge [sflag:s22], $0x1000  }
0x198: {  	[sflag:s22] =	ssyncset.done $0x0  }
0x199: {  	[sflag:s22] =	ssyncadd.s32 $0xFFFFF000  }
0x19a: {  	_ =	swait.ge [sflag:s22], $0x1000  }
0x19b: {  	[sflag:s22] =	ssyncset.done $0x0  }
0x19c: {  	[sflag:s22] =	ssyncadd.s32 $0xFFFFF000  }
0x19d: {  	_ =	swait.ge [sflag:s22], $0x1000  }
0x19e: {  	[sflag:s22] =	ssyncset.done $0x0  }
0x19f: {  	[sflag:s22] =	ssyncadd.s32 $0xFFFFF000  }
0x1a0: {  	_ =	swait.ge [sflag:s22], $0x1000  }
0x1a1: {  	[sflag:s22] =	ssyncset.done $0x0  }
0x1a2: {  	[sflag:s22] =	ssyncadd.s32 $0xFFFFF000  }
0x1a3: {  	_ =	swait.ge [sflag:s22], $0x1000  }
0x1a4: {  	[sflag:s22] =	ssyncset.done $0x0  }
0x1a5: {  	[sflag:s22] =	ssyncadd.s32 $0xFFFFF000  }
0x1a6: {  	_ =	swait.ge [sflag:s22], $0x1000  }
0x1a7: {  	[sflag:s22] =	ssyncset.done $0x0  }
0x1a8: {  	[sflag:s22] =	ssyncadd.s32 $0xFFFFF000  }
0x1a9: {  	_ =	swait.ge [sflag:s22], $0x1000  }
0x1aa: {  	[sflag:s22] =	ssyncset.done $0x0  }
0x1ab: {  	[sflag:s22] =	ssyncadd.s32 $0xFFFFF000  }
0x1ac: {  	_ =	swait.ge [sflag:s22], $0x1000  }
0x1ad: {  	s26 =	sadd.s32 $0x8, s26;
	[sflag:s22] =	ssyncset.done $0x0  }
0x1ae: {  	s28 =	sand.u32 $0x1F0, s26;
	[sflag:s22] =	ssyncadd.s32 $0xFFFFF000  }
0x1af: {  	s2 =	smov.u32 s30;
	v14 =	vld [tilespmem:s28+$0x200]  }
0x1b0: {  	s17 =	sadd.s32 $0xFFFFFFFF, s2  }
0x1b1: {  	s11 =	sand.u32 $0x2, s17  }
0x1b2: {  	s18 =	sshll.u32 s11, $0x2;
	v15 =	vld [tilespmem:s28+$0x0]  }
0x1b3: {  	v16 =	vor.u32 s18, v0  }
0x1b4: {  	v14 =	vperm.xlane v14, v16;
	_ =	sdelay $0x1  }
0x1b5: {  	v14 =	vand.u32 $0x7F, v14  }
0x1b6: {  	v15 =	vperm.xlane v15, v16;
	v16 =	vor.u32 v1, v14  }
0x1b7: {  	v19 =	vor.u32 v3, v14  }
0x1b8: {  	v15 =	vand.u32 $0x7F, v15;
	v18 =	vor.u32 v2, v14  }
0x1b9: {  	v23 =	vor.u32 v3, v15  }
0x1ba: {  	v27 =	vor.u32 v4, v14  }
0x1bb: {  	v28 =	vor.u32 v5, v14;
	v16 =	vld.idx.msk [tilespmem:v16+s13+$0x0], $0xffff  }
0x1bc: {  	v26 =	vor.u32 v7, v15;
	v19 =	vld.idx.msk [tilespmem:v19+s13+$0x0], $0xffff  }
0x1bd: {  	v29 =	vor.u32 v7, v14;
	v18 =	vld.idx.msk [tilespmem:v18+s13+$0x0], $0xffff  }
0x1be: {  	v17 =	vor.u32 v6, v14;
	v23 =	vld.idx.msk [tilespmem:v23+s12+$0x0], $0xffff  }
0x1bf: {  	p1 =	seq.s32 s2, $0x7F;
	v21 =	vor.u32 v1, v15;
	v27 =	vld.idx.msk [tilespmem:v27+s13+$0x0], $0xffff  }
0x1c0: {  	s4 =	sld @!p1 [smem:s29+$0x2];
	v22 =	vor.u32 v2, v15;
	v28 =	vld.idx.msk [tilespmem:v28+s13+$0x0], $0xffff  }
0x1c1: {  	v24 =	vor.u32 v4, v15;
	v26 =	vld.idx.msk [tilespmem:v26+s12+$0x0], $0xffff  }
0x1c2: {  	s14 =	sld @!p1 [smem:s31+$0x2];
	v14 =	vor.u32 v8, v14;
	v29 =	vld.idx.msk [tilespmem:v29+s13+$0x0], $0xffff  }
0x1c3: {  	s19 =	sand.u32 @!p1 $0xFFFFF80, s4;
	s4 =	sld @!p1 [smem:s31+$0x3];
	v20 =	vor.u32 v6, v15;
	v25 =	vor.u32 v5, v15;
	v15 =	vor.u32 v8, v15;
	v17 =	vld.idx.msk [tilespmem:v17+s13+$0x0], $0xffff  }
0x1c4: {  	v13 =	vmov s11;
	s11 =	sld @!p1 [smem:s29+$0x4];
	v21 =	vld.idx.msk [tilespmem:v21+s12+$0x0], $0xffff  }
0x1c5: {  	s24 =	sld @!p1 [smem:s31+$0x5];
	v22 =	vld.idx.msk [tilespmem:v22+s12+$0x0], $0xffff  }
0x1c6: {  	s16 =	sand.u32 @!p1 $0xFFFFF80, s4;
	s4 =	sld @!p1 [smem:s29+$0x5];
	v24 =	vld.idx.msk [tilespmem:v24+s12+$0x0], $0xffff  }
0x1c7: {  	s5 =	simm.s32 @!p1 $0x400;
	s15 =	sld @!p1 [smem:s29+$0x3];
	v14 =	vld.idx.msk [tilespmem:v14+s13+$0x0], $0xffff  }
0x1c8: {  	s18 =	sand.u32 @!p1 $0xFFFFF80, s14;
	s14 =	sand.u32 @!p1 $0xFFFFF80, s11;
	s19 =	sadd.s32 @!p1 s0, s19;
	v15 =	vld.idx.msk [tilespmem:v15+s12+$0x0], $0xffff  }
0x1c9: {  	s11 =	sand.u32 @!p1 $0xFFFFF80, s4;
	s4 =	sand.u32 @!p1 $0xFFFFF80, s24;
	s24 =	simm.s32 @!p1 $0x7A1400;
	v20 =	vld.idx.msk [tilespmem:v20+s12+$0x0], $0xffff  }
0x1ca: {  	v19 =	vmul.f32 v19, v23;
	v23 =	vld.idx.msk [tilespmem:v25+s12+$0x0], $0xffff;
	[tilespmem:s5], [sflag:$0x1] =	stream.strided.gather @!p1 [hbm4b:s19+s5], $0x1000, s24, s5, $0x38  }
0x1cb: {  	s17 =	sand.u32 @!p1 $0xFFFFF80, s15;
	s18 =	sadd.s32 @!p1 s1, s18;
	s19 =	simm.s32 @!p1 $0x4400  }
0x1cc: {  	[tilespmem:s19], [sflag:$0x1] =	stream.strided.gather @!p1 [hbm4b:s18+s5], $0x1000, s24, s5, $0x38;
	[tilespmem:$0x10600] =	vst v63  }
0x1cd: {  	s15 =	sld @!p1 [smem:s31+$0x4];
	s17 =	sadd.s32 @!p1 s0, s17;
	s18 =	simm.s32 @!p1 $0x1400  }
0x1ce: {  	[tilespmem:s18], [sflag:$0x1] =	stream.strided.gather @!p1 [hbm4b:s17+s5], $0x1000, s24, s5, $0x38;
	[tilespmem:$0x10600] =	vst v63  }
0x1cf: {  	s16 =	sadd.s32 @!p1 s1, s16;
	s17 =	simm.s32 @!p1 $0x5400  }
0x1d0: {  	[tilespmem:s17], [sflag:$0x1] =	stream.strided.gather @!p1 [hbm4b:s16+s5], $0x1000, s24, s5, $0x38;
	[tilespmem:$0x10600] =	vst v63  }
0x1d1: {  	s14 =	sadd.s32 @!p1 s0, s14;
	s15 =	sand.u32 @!p1 $0xFFFFF80, s15;
	s16 =	simm.s32 @!p1 $0x2400  }
0x1d2: {  	[tilespmem:s16], [sflag:$0x1] =	stream.strided.gather @!p1 [hbm4b:s14+s5], $0x1000, s24, s5, $0x38;
	[tilespmem:$0x10600] =	vst v63  }
0x1d3: {  	s14 =	sadd.s32 @!p1 s1, s15;
	s15 =	simm.s32 @!p1 $0x6400  }
0x1d4: {  	[tilespmem:s15], [sflag:$0x1] =	stream.strided.gather @!p1 [hbm4b:s14+s5], $0x1000, s24, s5, $0x38;
	[tilespmem:$0x10600] =	vst v63  }
0x1d5: {  	s11 =	sadd.s32 @!p1 s0, s11;
	s14 =	simm.s32 @!p1 $0x3400  }
0x1d6: {  	[tilespmem:s14], [sflag:$0x1] =	stream.strided.gather @!p1 [hbm4b:s11+s5], $0x1000, s24, s5, $0x38;
	[tilespmem:$0x10600] =	vst v63  }
0x1d7: {  	s4 =	sadd.s32 @!p1 s1, s4;
	s11 =	simm.s32 @!p1 $0x7400  }
0x1d8: {  	[tilespmem:s11], [sflag:$0x1] =	stream.strided.gather @!p1 [hbm4b:s4+s5], $0x1000, s24, s5, $0x38;
	[tilespmem:$0x10600] =	vst v63  }
0x1d9: {  	_ =	swait.ge [sflag:s23], $0x1000  }
0x1da: {  	[sflag:s23] =	ssyncset.done $0x0  }
0x1db: {  	[sflag:s23] =	ssyncadd.s32 $0xFFFFF000  }
0x1dc: {  	_ =	swait.ge [sflag:s23], $0x1000  }
0x1dd: {  	[sflag:s23] =	ssyncset.done $0x0  }
0x1de: {  	[sflag:s23] =	ssyncadd.s32 $0xFFFFF000  }
0x1df: {  	_ =	swait.ge [sflag:s23], $0x1000  }
0x1e0: {  	[sflag:s23] =	ssyncset.done $0x0  }
0x1e1: {  	[sflag:s23] =	ssyncadd.s32 $0xFFFFF000  }
0x1e2: {  	_ =	swait.ge [sflag:s23], $0x1000  }
0x1e3: {  	[sflag:s23] =	ssyncset.done $0x0  }
0x1e4: {  	v16 =	vmul.f32 v16, v21;
	[sflag:s23] =	ssyncadd.s32 $0xFFFFF000  }
0x1e5: {  	_ =	swait.ge [sflag:s23], $0x1000  }
0x1e6: {  	v18 =	vmul.f32 v18, v22;
	v16 =	vadd.f32 $0.0e+00, v16;
	[sflag:s23] =	ssyncset.done $0x0  }
0x1e7: {  	[sflag:s23] =	ssyncadd.s32 $0xFFFFF000  }
0x1e8: {  	v16 =	vadd.f32 v18, v16;
	_ =	swait.ge [sflag:s23], $0x1000  }
0x1e9: {  	[sflag:s23] =	ssyncset.done $0x0  }
0x1ea: {  	v22 =	vmul.f32 v27, v24;
	v14 =	vmul.f32 v14, v15;
	v15 =	vadd.f32 v19, v16;
	[sflag:s23] =	ssyncadd.s32 $0xFFFFF000  }
0x1eb: {  	_ =	swait.ge [sflag:s23], $0x1000  }
0x1ec: {  	v21 =	vmul.f32 v28, v23;
	v15 =	vadd.f32 v22, v15;
	[sflag:s23] =	ssyncset.done $0x0  }
0x1ed: {  	[sflag:s23] =	ssyncadd.s32 $0xFFFFF000  }
0x1ee: {  	v16 =	vmul.f32 v17, v20;
	v15 =	vadd.f32 v21, v15;
	_ =	swait.ge [sflag:s23], $0x1000  }
0x1ef: {  	[sflag:s23] =	ssyncset.done $0x0  }
0x1f0: {  	v25 =	vmul.f32 v29, v26;
	v15 =	vadd.f32 v16, v15;
	[sflag:s23] =	ssyncadd.s32 $0xFFFFF000  }
0x1f1: {  	v16 =	vld [tilespmem:s28+$0x0]  }
0x1f2: {  	v15 =	vadd.f32 v25, v15;
	v17 =	vld [tilespmem:s28+$0x200]  }
0x1f3: {  	s2 =	sand.u32 $0x3, s2  }
0x1f4: {  	s24 =	sshll.u32 s2, $0x2;
	v14 =	vadd.f32 v14, v15  }
0x1f5: {  	v18 =	vor.u32 s24, v0  }
0x1f6: {  	v15 =	vperm.xlane v14, v9;
	v16 =	vperm.xlane v16, v18  }
0x1f7: {  	v17 =	vperm.xlane v17, v18  }
0x1f8: {  	v14 =	vadd.f32 v14, v15;
	v27 =	vand.u32 $0x7F, v16  }
0x1f9: {  	v16 =	vand.u32 $0x7F, v17;
	v28 =	vor.u32 v1, v27  }
0x1fa: {  	v15 =	vperm.xlane v14, v10;
	v29 =	vor.u32 v1, v16  }
0x1fb: {  	s30 =	sadd.s32 $0x2, s30;
	v30 =	vor.u32 v2, v27  }
0x1fc: {  	p0 =	sne.s32 s30, $0x81;
	v14 =	vadd.f32 v14, v15;
	v32 =	vor.u32 v2, v16  }
.Ltmp1:
0x1fd: {  	v25 =	vor.u32 v3, v27;
	v24 =	vor.u32 v4, v27;
	v21 =	vor.u32 v5, v27;
	(pc) =	sbr.rel @p0 .LBB2_4-.Ltmp1, $4  }
0x1fe: {  	v18 =	vor.u32 v6, v27;
	v20 =	vor.u32 v7, v27;
	v17 =	vor.u32 v8, v27;
	v27 =	vld.idx.msk [tilespmem:v28+s20+$0x0], $0xffff  }
0x1ff: {  	v15 =	vmov s2;
	v29 =	vld.idx.msk [tilespmem:v29+s21+$0x0], $0xffff  }
0x200: {  	v14 =	vperm.xlane v14, v0;
	v26 =	vor.u32 v3, v16;
	v23 =	vor.u32 v5, v16;
	v28 =	vld.idx.msk [tilespmem:v30+s20+$0x0], $0xffff  }
0x201: {  	s31 =	sadd.s32 $0x8, s31;
	v22 =	vor.u32 v6, v16;
	v19 =	vor.u32 v7, v16;
	v31 =	vor.u32 v4, v16;
	v30 =	vld.idx.msk [tilespmem:v32+s21+$0x0], $0xffff  }
0x202: {  	_ =	sdelay $0x3  }
0x203: {  	v26 =	vld.idx.msk [tilespmem:v26+s21+$0x0], $0xffff  }
0x204: {  	v25 =	vld.idx.msk [tilespmem:v25+s20+$0x0], $0xffff  }
0x205: {  	v31 =	vld.idx.msk [tilespmem:v31+s21+$0x0], $0xffff;
	v27 =	vmul.f32 v29, v27  }
0x206: {  	v24 =	vld.idx.msk [tilespmem:v24+s20+$0x0], $0xffff  }
0x207: {  	v23 =	vld.idx.msk [tilespmem:v23+s21+$0x0], $0xffff;
	v27 =	vadd.f32 $0.0e+00, v27;
	v28 =	vmul.f32 v30, v28  }
0x208: {  	v21 =	vld.idx.msk [tilespmem:v21+s20+$0x0], $0xffff  }
0x209: {  	v16 =	vor.u32 v8, v16;
	v22 =	vld.idx.msk [tilespmem:v22+s21+$0x0], $0xffff;
	v25 =	vmul.f32 v26, v25;
	v27 =	vadd.f32 v28, v27  }
0x20a: {  	v18 =	vld.idx.msk [tilespmem:v18+s20+$0x0], $0xffff  }
0x20b: {  	v20 =	vld.idx.msk [tilespmem:v20+s20+$0x0], $0xffff;
	v24 =	vmul.f32 v31, v24;
	v25 =	vadd.f32 v25, v27  }
0x20c: {  	v19 =	vld.idx.msk [tilespmem:v19+s21+$0x0], $0xffff  }
0x20d: {  	v17 =	vld.idx.msk [tilespmem:v17+s20+$0x0], $0xffff;
	v21 =	vmul.f32 v23, v21;
	v24 =	vadd.f32 v24, v25  }
0x20e: {  	v16 =	vld.idx.msk [tilespmem:v16+s21+$0x0], $0xffff  }
0x20f: {  	v18 =	vmul.f32 v22, v18;
	v21 =	vadd.f32 v21, v24;
	_ =	sdelay $0x1  }
0x210: {  	v19 =	vmul.f32 v19, v20;
	v18 =	vadd.f32 v18, v21;
	_ =	sdelay $0x1  }
0x211: {  	v16 =	vmul.f32 v16, v17;
	v18 =	vadd.f32 v19, v18;
	_ =	sdelay $0x1  }
0x212: {  	v16 =	vadd.f32 v16, v18;
	_ =	sdelay $0x1  }
0x213: {  	v63 =	vperm.xlane v16, v9;
	_ =	sdelay $0x1  }
0x214: {  	v16 =	vadd.f32 v16, v63;
	_ =	sdelay $0x1  }
0x215: {  	v17 =	vperm.xlane v16, v10;
	_ =	sdelay $0x1  }
0x216: {  	v16 =	vadd.f32 v16, v17;
	_ =	sdelay $0x1  }
0x217: {  	vm0 =	veq.s32 v13, v11;
	v16 =	vperm.xlane v16, v0  }
0x218: {  	vm15 =	veq.s32 v15, v11;
	s25 =	sadd.s32 $0x1, s25;
	v12 =	vsel vm0, v14, v12  }
0x219: {  	p0 =	sne.s32 s25, s8;
	v12 =	vsel vm15, v16, v12  }
.Ltmp2:
0x21a: {  	s2 =	simm.s32 $0x10400;
	[tilespmem:s28+$0x10400] =	vst v12;
	(pc) =	sbr.rel @p0 .LBB2_1-.Ltmp2, $4  }
0x21b: {  	[hbm4b:s7+s3] =	stream.linear.scatter [tilespmem:s2], [sflag:$0x3], $0x200, $0x38;
	[tilespmem:$0x10600] =	vst v63  }
0x21c: {  	_ =	swait.ge [sflag:s9], $0x200  }
0x21d: {  	[sflag:s9] =	ssyncset.done $0x0  }
0x21e: {  	[sflag:s9] =	ssyncadd.s32 $0xFFFFFE00  }
0x21f: {  	_ =	sfence.sel $0x180000  }
0x220: {  	[bflag:$0x0] =	sbarrier.arrive $0xFFFF  }
0x221: {  	_ =	strace $0x90000047  }
0x222: {  	s0 =	stileid.u32;
	[bflag:$0x2] =	sbarrier.arrive $0xFFFF  }
0x223: {  	p0 =	sne.s32 s0, $0x0;
	s0 =	rddreg [dreg:$0x5]  }
0x224: {  	s0 =	sadd.s32 @!p0 $0x100000, s0  }
0x225: {  	[sflag:s0] =	ssyncadd.tile.s32 @!p0 $0x1;
	_ =	shalt  }
.Lfunc_end2:
_tile_overlayer_lowered:
.L_overlay_start_2:
0x226: {  	(tag) =	ssettag $0x2  }
0x227: {  	s0 =	rddreg [dreg:$0x0];
	s2 =	stileid.u32  }
0x228: {  	s1 =	rddreg [dreg:$0x1];
	p0 =	sne.s32 s2, $0x0  }
0x229: {  	s3 =	rddreg [dreg:$0x2];
	[bflag:$0x3] =	sbarrier.arrive $0xFFFF;
	s2 =	simm.s32 @!p0 $0x1C03  }
0x22a: {  	[timem:s3], [sflag:s2] =	dma.local @!p0 [hbm:s0], s1  }
0x22b: {  	s0 =	simm.s32 @!p0 $0x3  }
0x22c: {  	_ =	swait.ge @!p0 [sflag:s0], s1  }
0x22d: {  	s1 =	ssub.s32 @!p0 $0x0, s1;
	[sflag:s0] =	ssyncset.done @!p0 $0x0  }
0x22e: {  	[sflag:s0] =	ssyncadd.s32 @!p0 s1  }
0x22f: {  	[bflag:$0x3] =	sbarrier.arrive $0xFFFF  }
0x230: {  	_ =	shalt  }

</sc_bundles>
